<compile_context>
chip_gen: v7x
topology: tpu7x:2x2x1
jax: 0.10.2.dev20260603
libtpu: 0.0.44.dev20260713+nightly
codegen_flags: <defaults>
</compile_context>

<pallas_src>
import functools

import jax
import jax.numpy as jnp
from jax import lax
from jax.experimental import pallas as pl
from jax.experimental.pallas import tpu as pltpu, tpu_sc as plsc

NC = 2
NS = 16
LW = 16
K_CH = 80
R_BLK = 1000
NIDX = 8
NROW = 4


def _sc_mesh():
    return plsc.VectorSubcoreMesh(core_axis_name="c", subcore_axis_name="s")


def _sc_degree(dst, zeros_nl, ones_kl):
    npad = zeros_nl.shape[0]
    e = dst.shape[0]
    ec = e // NC
    et = ec // NS
    nch = et // K_CH
    rt = npad // NS

    @functools.partial(
        pl.kernel,
        out_type=jax.ShapeDtypeStruct((NC, npad, LW), jnp.float32),
        mesh=_sc_mesh(),
        scratch_types=[
            pltpu.VMEM_SHARED((npad, LW), jnp.float32),
            pltpu.VMEM((K_CH,), jnp.int32),
            pltpu.VMEM((K_CH, LW), jnp.float32),
        ],
    )
    def k(dst_hbm, zeros_hbm, ones_hbm, out_hbm, acc, didx, ones_v):
        c = lax.axis_index("c")
        s = lax.axis_index("s")
        rbase = s * rt
        pltpu.sync_copy(zeros_hbm.at[pl.ds(rbase, rt)], acc.at[pl.ds(rbase, rt)])
        pltpu.sync_copy(ones_hbm, ones_v)
        plsc.subcore_barrier()
        ebase = c * ec + s * et

        def body(j, carry):
            off = pl.multiple_of(ebase + j * K_CH, 8)
            pltpu.sync_copy(dst_hbm.at[pl.ds(off, K_CH)], didx)
            pltpu.sync_copy(ones_v, acc.at[didx], add=True)
            return carry

        lax.fori_loop(0, nch, body, 0)
        plsc.subcore_barrier()
        pltpu.sync_copy(acc.at[pl.ds(rbase, rt)], out_hbm.at[c, pl.ds(rbase, rt)])

    return k(dst, zeros_nl, ones_kl)


def _sc_agg(table, src, dst, zeros_nd):
    n, d = table.shape
    npad = zeros_nd.shape[0]
    e = src.shape[0]
    ec = e // NC
    et = ec // NS
    nch = et // K_CH
    rt = npad // NS

    pipelined = nch >= 2

    @functools.partial(
        pl.kernel,
        out_type=jax.ShapeDtypeStruct((NC, npad, d), jnp.float32),
        mesh=_sc_mesh(),
        scratch_types=[
            pltpu.VMEM_SHARED((npad, d), jnp.float32),
            pltpu.VMEM((K_CH,), jnp.int32),
            pltpu.VMEM((K_CH,), jnp.int32),
            pltpu.VMEM((K_CH,), jnp.int32),
            pltpu.VMEM((K_CH,), jnp.int32),
            pltpu.VMEM((K_CH, d), jnp.float32),
            pltpu.VMEM((K_CH, d), jnp.float32),
            pltpu.SemaphoreType.DMA,
            pltpu.SemaphoreType.DMA,
        ],
    )
    def k(table_hbm, src_hbm, dst_hbm, zeros_hbm, out_hbm, acc,
          sidx0, sidx1, didx0, didx1, rows0, rows1, sem0, sem1):
        c = lax.axis_index("c")
        s = lax.axis_index("s")
        rbase = s * rt
        pltpu.sync_copy(zeros_hbm.at[pl.ds(rbase, rt)], acc.at[pl.ds(rbase, rt)])
        plsc.subcore_barrier()
        ebase = c * ec + s * et

        def fetch(j, sidx, didx):
            off = pl.multiple_of(ebase + j * K_CH, 8)
            pltpu.sync_copy(src_hbm.at[pl.ds(off, K_CH)], sidx)
            pltpu.sync_copy(dst_hbm.at[pl.ds(off, K_CH)], didx)

        if pipelined:
            def body(jj, carry):
                j = jj * 2
                fetch(j, sidx0, didx0)
                cp0 = pltpu.async_copy(table_hbm.at[sidx0], rows0, sem0)
                fetch(j + 1, sidx1, didx1)
                cp1 = pltpu.async_copy(table_hbm.at[sidx1], rows1, sem1)
                cp0.wait()
                pltpu.sync_copy(rows0, acc.at[didx0], add=True)
                cp1.wait()
                pltpu.sync_copy(rows1, acc.at[didx1], add=True)
                return carry

            lax.fori_loop(0, nch // 2, body, 0)
            if nch % 2 == 1:
                fetch(nch - 1, sidx0, didx0)
                pltpu.async_copy(table_hbm.at[sidx0], rows0, sem0).wait()
                pltpu.sync_copy(rows0, acc.at[didx0], add=True)
        else:
            def body(j, carry):
                fetch(j, sidx0, didx0)
                pltpu.async_copy(table_hbm.at[sidx0], rows0, sem0).wait()
                pltpu.sync_copy(rows0, acc.at[didx0], add=True)
                return carry

            lax.fori_loop(0, nch, body, 0)

        plsc.subcore_barrier()
        pltpu.sync_copy(acc.at[pl.ds(rbase, rt)], out_hbm.at[c, pl.ds(rbase, rt)])

    return k(table, src, dst, zeros_nd)


def _deg_terms(dp_ref):
    deg = dp_ref[0, :, 0:1] + dp_ref[1, :, 0:1] + 1.0
    return lax.rsqrt(deg), 1.0 / deg


def _tc_k1(x, w1, degparts):
    n, d = x.shape
    g = n // R_BLK

    def body(x_ref, w_ref, dp_ref, h_ref, hs_ref):
        dis, _ = _deg_terms(dp_ref)
        h = jnp.dot(x_ref[...], w_ref[...], preferred_element_type=jnp.float32)
        h_ref[...] = h
        hs_ref[...] = h * dis

    return pl.pallas_call(
        body,
        grid=(g,),
        in_specs=[
            pl.BlockSpec((R_BLK, d), lambda i: (i, 0)),
            pl.BlockSpec((d, d), lambda i: (0, 0)),
            pl.BlockSpec((NC, R_BLK, LW), lambda i: (0, i, 0)),
        ],
        out_specs=[
            pl.BlockSpec((R_BLK, d), lambda i: (i, 0)),
            pl.BlockSpec((R_BLK, d), lambda i: (i, 0)),
        ],
        out_shape=[
            jax.ShapeDtypeStruct((n, d), jnp.float32),
            jax.ShapeDtypeStruct((n, d), jnp.float32),
        ],
    )(x, w1, degparts)


def _tc_k2(sparts, h, degparts, b, w2):
    n, d = h.shape
    g = n // R_BLK

    def body(sp_ref, h_ref, dp_ref, b_ref, w_ref, h2_ref, hs2_ref):
        dis, inv = _deg_terms(dp_ref)
        s = sp_ref[0] + sp_ref[1]
        z = jax.nn.gelu(s * dis + h_ref[...] * inv + b_ref[...])
        h2 = jnp.dot(z, w_ref[...], preferred_element_type=jnp.float32)
        h2_ref[...] = h2
        hs2_ref[...] = h2 * dis

    return pl.pallas_call(
        body,
        grid=(g,),
        in_specs=[
            pl.BlockSpec((NC, R_BLK, d), lambda i: (0, i, 0)),
            pl.BlockSpec((R_BLK, d), lambda i: (i, 0)),
            pl.BlockSpec((NC, R_BLK, LW), lambda i: (0, i, 0)),
            pl.BlockSpec((1, d), lambda i: (0, 0)),
            pl.BlockSpec((d, d), lambda i: (0, 0)),
        ],
        out_specs=[
            pl.BlockSpec((R_BLK, d), lambda i: (i, 0)),
            pl.BlockSpec((R_BLK, d), lambda i: (i, 0)),
        ],
        out_shape=[
            jax.ShapeDtypeStruct((n, d), jnp.float32),
            jax.ShapeDtypeStruct((n, d), jnp.float32),
        ],
    )(sparts, h, degparts, b, w2)


def _tc_k3(sparts, h, degparts, b, batch2d, wc, bc):
    n, d = h.shape
    g = n // R_BLK
    b_seg = 64

    def body(sp_ref, h_ref, dp_ref, b_ref, bt_ref, wc_ref, bc_ref, out_ref,
             sums, counts):
        i = pl.program_id(0)

        @pl.when(i == 0)
        def _():
            sums[...] = jnp.zeros_like(sums)
            counts[...] = jnp.zeros_like(counts)

        dis, inv = _deg_terms(dp_ref)
        s = sp_ref[0] + sp_ref[1]
        z = jax.nn.gelu(s * dis + h_ref[...] * inv + b_ref[...])
        oh = (bt_ref[...] == lax.broadcasted_iota(jnp.int32, (R_BLK, b_seg), 1)
              ).astype(jnp.float32)
        sums[...] += lax.dot_general(oh, z, (((0,), (0,)), ((), ())),
                                     preferred_element_type=jnp.float32)
        counts[...] += lax.dot_general(oh, jnp.ones_like(z),
                                       (((0,), (0,)), ((), ())),
                                       preferred_element_type=jnp.float32)

        @pl.when(i == g - 1)
        def _():
            gm = sums[...] / jnp.maximum(counts[...], 1.0)
            out_ref[...] = jnp.dot(gm, wc_ref[...],
                                   preferred_element_type=jnp.float32) + bc_ref[...]

    return pl.pallas_call(
        body,
        grid=(g,),
        in_specs=[
            pl.BlockSpec((NC, R_BLK, d), lambda i: (0, i, 0)),
            pl.BlockSpec((R_BLK, d), lambda i: (i, 0)),
            pl.BlockSpec((NC, R_BLK, LW), lambda i: (0, i, 0)),
            pl.BlockSpec((1, d), lambda i: (0, 0)),
            pl.BlockSpec((R_BLK, 1), lambda i: (i, 0)),
            pl.BlockSpec((d, wc.shape[1]), lambda i: (0, 0)),
            pl.BlockSpec((1, wc.shape[1]), lambda i: (0, 0)),
        ],
        out_specs=pl.BlockSpec((b_seg, wc.shape[1]), lambda i: (0, 0)),
        out_shape=jax.ShapeDtypeStruct((b_seg, wc.shape[1]), jnp.float32),
        scratch_shapes=[
            pltpu.VMEM((b_seg, d), jnp.float32),
            pltpu.VMEM((b_seg, d), jnp.float32),
        ],
    )(sparts, h, degparts, b, batch2d, wc, bc)


def kernel(x, edge_index, batch, W1, b1, W2, b2, Wc, bc):
    n, d = x.shape
    src = edge_index[0]
    dst = edge_index[1]
    npad = -(-n // (NS * 8)) * (NS * 8)
    zeros_nl = jnp.zeros((npad, LW), jnp.float32)
    ones_kl = jnp.ones((K_CH, LW), jnp.float32)
    zeros_nd = jnp.zeros((npad, d), jnp.float32)

    degparts = _sc_degree(dst, zeros_nl, ones_kl)
    h1, hs1 = _tc_k1(x, W1, degparts)
    s1 = _sc_agg(hs1, src, dst, zeros_nd)
    h2, hs2 = _tc_k2(s1, h1, degparts, b1.reshape(1, d), W2)
    s2 = _sc_agg(hs2, src, dst, zeros_nd)
    out = _tc_k3(s2, h2, degparts, b2.reshape(1, d),
                 batch.reshape(n, 1), Wc, bc.reshape(1, -1))
    return out

# --- scband reference (transcript-rebuilt; emitter-appended) ---
"""Pipeline reference for scband-modular-graph-63084479644139 (READ-ONLY COPY).

The authoritative reference and input builder live on the scoring server;
editing this copy changes nothing except your own understanding.
"""

import jax, jax.numpy as jnp
import numpy as np

N = 10000
E = 320000
D = 128
B = 64
C = 10


def setup_inputs(seed: int = 0) -> dict:
    key = jax.random.key(seed)
    ks = jax.random.split(key, 10)
    x = jax.random.normal(ks[0], (N, D), dtype=jnp.float32)
    edge_index = jax.random.randint(ks[1], (2, E), 0, N, dtype=jnp.int32)
    batch = jnp.sort(jax.random.randint(ks[2], (N,), 0, B, dtype=jnp.int32))
    s = 1.0 / np.sqrt(D)
    W1 = jax.random.normal(ks[3], (D, D), dtype=jnp.float32) * s
    b1 = jnp.zeros((D,), dtype=jnp.float32)
    W2 = jax.random.normal(ks[4], (D, D), dtype=jnp.float32) * s
    b2 = jnp.zeros((D,), dtype=jnp.float32)
    Wc = jax.random.normal(ks[5], (D, C), dtype=jnp.float32) * s
    bc = jnp.zeros((C,), dtype=jnp.float32)
    return {"x": x, "edge_index": edge_index, "batch": batch,
            "W1": W1, "b1": b1, "W2": W2, "b2": b2, "Wc": Wc, "bc": bc}


def _gcn_conv(x, edge_index, W, b):
    # PyG GCNConv: add self-loops, symmetric normalization, scatter-add aggregate
    n = x.shape[0]
    h = x @ W
    src = edge_index[0]
    dst = edge_index[1]
    loop = jnp.arange(n, dtype=edge_index.dtype)
    src = jnp.concatenate([src, loop])
    dst = jnp.concatenate([dst, loop])
    deg = jnp.zeros((n,), dtype=h.dtype).at[dst].add(1.0)
    dis = jnp.where(deg > 0, jax.lax.rsqrt(jnp.maximum(deg, 1e-12)), 0.0)
    norm = dis[src] * dis[dst]
    msgs = h[src] * norm[:, None]
    out = jnp.zeros_like(h).at[dst].add(msgs)
    return out + b


def reference(x, edge_index, batch, W1, b1, W2, b2, Wc, bc):
    h = jax.nn.gelu(_gcn_conv(x, edge_index, W1, b1))
    h = jax.nn.gelu(_gcn_conv(h, edge_index, W2, b2))
    # global_mean_pool
    sums = jax.ops.segment_sum(h, batch, num_segments=B)
    counts = jax.ops.segment_sum(jnp.ones((h.shape[0], 1), dtype=h.dtype), batch, num_segments=B)
    g = sums / jnp.maximum(counts, 1.0)
    # classifier
    return g @ Wc + bc

if __name__ == "__main__":
    import jax
    _d = setup_inputs()
    print(jax.jit(kernel)(*tuple(_d.values())))

</pallas_src>

<mosaic_0001>
#map = affine_map<(d0, d1) -> (0, 0)>
#map1 = affine_map<(d0, d1) -> (0)>
#map2 = affine_map<(d0, d1) -> (0, 0, 0)>
module attributes {stable_mosaic.version = 14 : i64} {
  func.func @k(%arg0: i32, %arg1: i32, %arg2: memref<10000x128xf32, #tpu.memory_space<hbm>>, %arg3: memref<320000xi32, #tpu.memory_space<hbm>>, %arg4: memref<320000xi32, #tpu.memory_space<hbm>>, %arg5: memref<10112x128xf32, #tpu.memory_space<hbm>>, %arg6: memref<2x10112x128xf32, #tpu.memory_space<hbm>>, %arg7: memref<10112x128xf32, #tpu.memory_space<vmem_shared>>, %arg8: memref<80xi32, #tpu.memory_space<vmem>>, %arg9: memref<80xi32, #tpu.memory_space<vmem>>, %arg10: memref<80xi32, #tpu.memory_space<vmem>>, %arg11: memref<80xi32, #tpu.memory_space<vmem>>, %arg12: memref<80x128xf32, #tpu.memory_space<vmem>>, %arg13: memref<80x128xf32, #tpu.memory_space<vmem>>, %arg14: memref<!tpu.dma_semaphore, #tpu.memory_space<semaphore_mem>>, %arg15: memref<!tpu.dma_semaphore, #tpu.memory_space<semaphore_mem>>) attributes {dimension_semantics = [#tpu.dimension_semantics<core_parallel>, #tpu.dimension_semantics<subcore_parallel>], iteration_bounds = array<i64: 2, 16>, scalar_prefetch = 0 : i64, scratch_operands = 9 : i64, tpu.core_type = #tpu.core_type<sc_vector_subcore>, window_params = [{transform_indices = #map}, {transform_indices = #map1}, {transform_indices = #map1}, {transform_indices = #map}, {transform_indices = #map2}]} {
    %mul3A = arith.constant 632 : i32
    %mul3A_0 = arith.muli %arg1, %mul3A : i32
    "tpu.region"() ({
      %run_scoped3A = tpu.sem_alloc : memref<!tpu.dma_semaphore, #tpu.memory_space<semaphore_mem>>
      %dma_start3A_17 = arith.constant 0 : i32
      %dma_start3A_18 = tpu.memref_slice %arg7[%mul3A_0, %dma_start3A_17] : memref<10112x128xf32, #tpu.memory_space<vmem_shared>> -> memref<632x128xf32, #tpu.memory_space<vmem_shared>>
      %dma_start3A_19 = arith.constant 0 : i32
      %dma_start3A_20 = tpu.memref_slice %arg5[%mul3A_0, %dma_start3A_19] : memref<10112x128xf32, #tpu.memory_space<hbm>> -> memref<632x128xf32, #tpu.memory_space<hbm>>
      tpu.enqueue_dma source(%dma_start3A_20 : memref<632x128xf32, #tpu.memory_space<hbm>>) target(%dma_start3A_18 : memref<632x128xf32, #tpu.memory_space<vmem_shared>>) target_semaphore(%run_scoped3A : memref<!tpu.dma_semaphore, #tpu.memory_space<semaphore_mem>>)
      %dma_wait3A_21 = arith.constant 0 : i32
      %dma_wait3A_22 = tpu.memref_slice %arg7[%mul3A_0, %dma_wait3A_21] : memref<10112x128xf32, #tpu.memory_space<vmem_shared>> -> memref<632x128xf32, #tpu.memory_space<vmem_shared>>
      %dma_wait3A_23 = arith.constant 0 : i32
      %dma_wait3A_24 = tpu.memref_slice %arg5[%mul3A_0, %dma_wait3A_23] : memref<10112x128xf32, #tpu.memory_space<hbm>> -> memref<632x128xf32, #tpu.memory_space<hbm>>
      tpu.wait_dma2 semaphore(%run_scoped3A : memref<!tpu.dma_semaphore, #tpu.memory_space<semaphore_mem>>) src(%dma_wait3A_24 : memref<632x128xf32, #tpu.memory_space<hbm>>) dst(%dma_wait3A_22 : memref<632x128xf32, #tpu.memory_space<vmem_shared>>)
      tpu.yield
    }) : () -> ()
    %barrier3A = arith.constant 0 : index
    tpu.barrier barrier_id(%barrier3A)
    %mul3A_1 = arith.constant 160000 : i32
    %mul3A_2 = arith.muli %arg0, %mul3A_1 : i32
    %mul3A_3 = arith.constant 10000 : i32
    %mul3A_4 = arith.muli %arg1, %mul3A_3 : i32
    %add3A = arith.addi %mul3A_2, %mul3A_4 : i32
    %scan3A = arith.constant 0 : i32
    %scan3A_5 = arith.constant 0 : i32
    %scan3A_6 = arith.constant 62 : i32
    %scan3A_7 = arith.addi %scan3A_5, %scan3A_6 : i32
    %scan3A_8 = arith.constant 1 : i32
    scf.for %scan3A_17 = %scan3A_5 to %scan3A_7 step %scan3A_8  : i32 {
      %mul3A_18 = arith.constant 2 : i32
      %mul3A_19 = arith.muli %scan3A_17, %mul3A_18 : i32
      %mul3A_20 = arith.constant 80 : i32
      %mul3A_21 = arith.muli %mul3A_19, %mul3A_20 : i32
      %add3A_22 = arith.addi %add3A, %mul3A_21 : i32
      %multiple_of3A_23 = tpu.assume_multiple %add3A_22, 8 : i32
      "tpu.region"() ({
        %run_scoped3A = tpu.sem_alloc : memref<!tpu.dma_semaphore, #tpu.memory_space<semaphore_mem>>
        %dma_start3A_42 = tpu.memref_slice %arg3[%multiple_of3A_23] : memref<320000xi32, #tpu.memory_space<hbm>> -> memref<80xi32, #tpu.memory_space<hbm>>
        %dma_start3A_43 = tpu.memref_slice %arg3[%multiple_of3A_23] : memref<320000xi32, #tpu.memory_space<hbm>> -> memref<80xi32, #tpu.memory_space<hbm>>
        tpu.enqueue_dma source(%dma_start3A_43 : memref<80xi32, #tpu.memory_space<hbm>>) target(%arg8 : memref<80xi32, #tpu.memory_space<vmem>>) target_semaphore(%run_scoped3A : memref<!tpu.dma_semaphore, #tpu.memory_space<semaphore_mem>>)
        %dma_wait3A_44 = tpu.memref_slice %arg3[%multiple_of3A_23] : memref<320000xi32, #tpu.memory_space<hbm>> -> memref<80xi32, #tpu.memory_space<hbm>>
        %dma_wait3A_45 = tpu.memref_slice %arg3[%multiple_of3A_23] : memref<320000xi32, #tpu.memory_space<hbm>> -> memref<80xi32, #tpu.memory_space<hbm>>
        tpu.wait_dma2 semaphore(%run_scoped3A : memref<!tpu.dma_semaphore, #tpu.memory_space<semaphore_mem>>) src(%dma_wait3A_45 : memref<80xi32, #tpu.memory_space<hbm>>) dst(%arg8 : memref<80xi32, #tpu.memory_space<vmem>>)
        tpu.yield
      }) : () -> ()
      "tpu.region"() ({
        %run_scoped3A = tpu.sem_alloc : memref<!tpu.dma_semaphore, #tpu.memory_space<semaphore_mem>>
        %dma_start3A_42 = tpu.memref_slice %arg4[%multiple_of3A_23] : memref<320000xi32, #tpu.memory_space<hbm>> -> memref<80xi32, #tpu.memory_space<hbm>>
        %dma_start3A_43 = tpu.memref_slice %arg4[%multiple_of3A_23] : memref<320000xi32, #tpu.memory_space<hbm>> -> memref<80xi32, #tpu.memory_space<hbm>>
        tpu.enqueue_dma source(%dma_start3A_43 : memref<80xi32, #tpu.memory_space<hbm>>) target(%arg10 : memref<80xi32, #tpu.memory_space<vmem>>) target_semaphore(%run_scoped3A : memref<!tpu.dma_semaphore, #tpu.memory_space<semaphore_mem>>)
        %dma_wait3A_44 = tpu.memref_slice %arg4[%multiple_of3A_23] : memref<320000xi32, #tpu.memory_space<hbm>> -> memref<80xi32, #tpu.memory_space<hbm>>
        %dma_wait3A_45 = tpu.memref_slice %arg4[%multiple_of3A_23] : memref<320000xi32, #tpu.memory_space<hbm>> -> memref<80xi32, #tpu.memory_space<hbm>>
        tpu.wait_dma2 semaphore(%run_scoped3A : memref<!tpu.dma_semaphore, #tpu.memory_space<semaphore_mem>>) src(%dma_wait3A_45 : memref<80xi32, #tpu.memory_space<hbm>>) dst(%arg10 : memref<80xi32, #tpu.memory_space<vmem>>)
        tpu.yield
      }) : () -> ()
      %dma_start3A_24 = arith.constant 0 : i32
      %dma_start3A_25 = arith.constant 0 : i32
      %dma_start3A_26 = tpu.memref_slice %arg2[%dma_start3A_24, %dma_start3A_25] : memref<10000x128xf32, #tpu.memory_space<hbm>> -> memref<10000x128xf32, #tpu.memory_space<hbm>>
      tpu.enqueue_indirect_dma source(%dma_start3A_26 : memref<10000x128xf32, #tpu.memory_space<hbm>>) target(%arg12 : memref<80x128xf32, #tpu.memory_space<vmem>>) offsets(%arg8 : memref<80xi32, #tpu.memory_space<vmem>>) semaphore(%arg14 : memref<!tpu.dma_semaphore, #tpu.memory_space<semaphore_mem>>)
      %add3A_27 = arith.constant 1 : i32
      %add3A_28 = arith.addi %mul3A_19, %add3A_27 : i32
      %mul3A_29 = arith.constant 80 : i32
      %mul3A_30 = arith.muli %add3A_28, %mul3A_29 : i32
      %add3A_31 = arith.addi %add3A, %mul3A_30 : i32
      %multiple_of3A_32 = tpu.assume_multiple %add3A_31, 8 : i32
      "tpu.region"() ({
        %run_scoped3A = tpu.sem_alloc : memref<!tpu.dma_semaphore, #tpu.memory_space<semaphore_mem>>
        %dma_start3A_42 = tpu.memref_slice %arg3[%multiple_of3A_32] : memref<320000xi32, #tpu.memory_space<hbm>> -> memref<80xi32, #tpu.memory_space<hbm>>
        %dma_start3A_43 = tpu.memref_slice %arg3[%multiple_of3A_32] : memref<320000xi32, #tpu.memory_space<hbm>> -> memref<80xi32, #tpu.memory_space<hbm>>
        tpu.enqueue_dma source(%dma_start3A_43 : memref<80xi32, #tpu.memory_space<hbm>>) target(%arg9 : memref<80xi32, #tpu.memory_space<vmem>>) target_semaphore(%run_scoped3A : memref<!tpu.dma_semaphore, #tpu.memory_space<semaphore_mem>>)
        %dma_wait3A_44 = tpu.memref_slice %arg3[%multiple_of3A_32] : memref<320000xi32, #tpu.memory_space<hbm>> -> memref<80xi32, #tpu.memory_space<hbm>>
        %dma_wait3A_45 = tpu.memref_slice %arg3[%multiple_of3A_32] : memref<320000xi32, #tpu.memory_space<hbm>> -> memref<80xi32, #tpu.memory_space<hbm>>
        tpu.wait_dma2 semaphore(%run_scoped3A : memref<!tpu.dma_semaphore, #tpu.memory_space<semaphore_mem>>) src(%dma_wait3A_45 : memref<80xi32, #tpu.memory_space<hbm>>) dst(%arg9 : memref<80xi32, #tpu.memory_space<vmem>>)
        tpu.yield
      }) : () -> ()
      "tpu.region"() ({
        %run_scoped3A = tpu.sem_alloc : memref<!tpu.dma_semaphore, #tpu.memory_space<semaphore_mem>>
        %dma_start3A_42 = tpu.memref_slice %arg4[%multiple_of3A_32] : memref<320000xi32, #tpu.memory_space<hbm>> -> memref<80xi32, #tpu.memory_space<hbm>>
        %dma_start3A_43 = tpu.memref_slice %arg4[%multiple_of3A_32] : memref<320000xi32, #tpu.memory_space<hbm>> -> memref<80xi32, #tpu.memory_space<hbm>>
        tpu.enqueue_dma source(%dma_start3A_43 : memref<80xi32, #tpu.memory_space<hbm>>) target(%arg11 : memref<80xi32, #tpu.memory_space<vmem>>) target_semaphore(%run_scoped3A : memref<!tpu.dma_semaphore, #tpu.memory_space<semaphore_mem>>)
        %dma_wait3A_44 = tpu.memref_slice %arg4[%multiple_of3A_32] : memref<320000xi32, #tpu.memory_space<hbm>> -> memref<80xi32, #tpu.memory_space<hbm>>
        %dma_wait3A_45 = tpu.memref_slice %arg4[%multiple_of3A_32] : memref<320000xi32, #tpu.memory_space<hbm>> -> memref<80xi32, #tpu.memory_space<hbm>>
        tpu.wait_dma2 semaphore(%run_scoped3A : memref<!tpu.dma_semaphore, #tpu.memory_space<semaphore_mem>>) src(%dma_wait3A_45 : memref<80xi32, #tpu.memory_space<hbm>>) dst(%arg11 : memref<80xi32, #tpu.memory_space<vmem>>)
        tpu.yield
      }) : () -> ()
      %dma_start3A_33 = arith.constant 0 : i32
      %dma_start3A_34 = arith.constant 0 : i32
      %dma_start3A_35 = tpu.memref_slice %arg2[%dma_start3A_33, %dma_start3A_34] : memref<10000x128xf32, #tpu.memory_space<hbm>> -> memref<10000x128xf32, #tpu.memory_space<hbm>>
      tpu.enqueue_indirect_dma source(%dma_start3A_35 : memref<10000x128xf32, #tpu.memory_space<hbm>>) target(%arg13 : memref<80x128xf32, #tpu.memory_space<vmem>>) offsets(%arg9 : memref<80xi32, #tpu.memory_space<vmem>>) semaphore(%arg15 : memref<!tpu.dma_semaphore, #tpu.memory_space<semaphore_mem>>)
      %dma_wait3A_36 = arith.constant 0 : i32
      %dma_wait3A_37 = arith.constant 0 : i32
      %dma_wait3A_38 = tpu.memref_slice %arg2[%dma_wait3A_36, %dma_wait3A_37] : memref<10000x128xf32, #tpu.memory_space<hbm>> -> memref<10000x128xf32, #tpu.memory_space<hbm>>
      tpu.wait_indirect_dma semaphore(%arg14 : memref<!tpu.dma_semaphore, #tpu.memory_space<semaphore_mem>>) src(%dma_wait3A_38 : memref<10000x128xf32, #tpu.memory_space<hbm>>) dst(%arg12 : memref<80x128xf32, #tpu.memory_space<vmem>>)
      "tpu.region"() ({
        %run_scoped3A = tpu.sem_alloc : memref<!tpu.dma_semaphore, #tpu.memory_space<semaphore_mem>>
        %dma_start3A_42 = arith.constant 0 : i32
        %dma_start3A_43 = arith.constant 0 : i32
        %dma_start3A_44 = tpu.memref_slice %arg7[%dma_start3A_42, %dma_start3A_43] : memref<10112x128xf32, #tpu.memory_space<vmem_shared>> -> memref<10112x128xf32, #tpu.memory_space<vmem_shared>>
        tpu.enqueue_indirect_dma source(%arg12 : memref<80x128xf32, #tpu.memory_space<vmem>>) target(%dma_start3A_44 : memref<10112x128xf32, #tpu.memory_space<vmem_shared>>) offsets(%arg10 : memref<80xi32, #tpu.memory_space<vmem>>) semaphore(%run_scoped3A : memref<!tpu.dma_semaphore, #tpu.memory_space<semaphore_mem>>) {add = true}
        %dma_wait3A_45 = arith.constant 0 : i32
        %dma_wait3A_46 = arith.constant 0 : i32
        %dma_wait3A_47 = tpu.memref_slice %arg7[%dma_wait3A_45, %dma_wait3A_46] : memref<10112x128xf32, #tpu.memory_space<vmem_shared>> -> memref<10112x128xf32, #tpu.memory_space<vmem_shared>>
        tpu.wait_indirect_dma semaphore(%run_scoped3A : memref<!tpu.dma_semaphore, #tpu.memory_space<semaphore_mem>>) src(%arg12 : memref<80x128xf32, #tpu.memory_space<vmem>>) dst(%dma_wait3A_47 : memref<10112x128xf32, #tpu.memory_space<vmem_shared>>)
        tpu.yield
      }) : () -> ()
      %dma_wait3A_39 = arith.constant 0 : i32
      %dma_wait3A_40 = arith.constant 0 : i32
      %dma_wait3A_41 = tpu.memref_slice %arg2[%dma_wait3A_39, %dma_wait3A_40] : memref<10000x128xf32, #tpu.memory_space<hbm>> -> memref<10000x128xf32, #tpu.memory_space<hbm>>
      tpu.wait_indirect_dma semaphore(%arg15 : memref<!tpu.dma_semaphore, #tpu.memory_space<semaphore_mem>>) src(%dma_wait3A_41 : memref<10000x128xf32, #tpu.memory_space<hbm>>) dst(%arg13 : memref<80x128xf32, #tpu.memory_space<vmem>>)
      "tpu.region"() ({
        %run_scoped3A = tpu.sem_alloc : memref<!tpu.dma_semaphore, #tpu.memory_space<semaphore_mem>>
        %dma_start3A_42 = arith.constant 0 : i32
        %dma_start3A_43 = arith.constant 0 : i32
        %dma_start3A_44 = tpu.memref_slice %arg7[%dma_start3A_42, %dma_start3A_43] : memref<10112x128xf32, #tpu.memory_space<vmem_shared>> -> memref<10112x128xf32, #tpu.memory_space<vmem_shared>>
        tpu.enqueue_indirect_dma source(%arg13 : memref<80x128xf32, #tpu.memory_space<vmem>>) target(%dma_start3A_44 : memref<10112x128xf32, #tpu.memory_space<vmem_shared>>) offsets(%arg11 : memref<80xi32, #tpu.memory_space<vmem>>) semaphore(%run_scoped3A : memref<!tpu.dma_semaphore, #tpu.memory_space<semaphore_mem>>) {add = true}
        %dma_wait3A_45 = arith.constant 0 : i32
        %dma_wait3A_46 = arith.constant 0 : i32
        %dma_wait3A_47 = tpu.memref_slice %arg7[%dma_wait3A_45, %dma_wait3A_46] : memref<10112x128xf32, #tpu.memory_space<vmem_shared>> -> memref<10112x128xf32, #tpu.memory_space<vmem_shared>>
        tpu.wait_indirect_dma semaphore(%run_scoped3A : memref<!tpu.dma_semaphore, #tpu.memory_space<semaphore_mem>>) src(%arg13 : memref<80x128xf32, #tpu.memory_space<vmem>>) dst(%dma_wait3A_47 : memref<10112x128xf32, #tpu.memory_space<vmem_shared>>)
        tpu.yield
      }) : () -> ()
    }
    %scan3A_9 = arith.constant 62 : i32
    %add3A_10 = arith.constant 9920 : i32
    %add3A_11 = arith.addi %add3A, %add3A_10 : i32
    %multiple_of3A = tpu.assume_multiple %add3A_11, 8 : i32
    "tpu.region"() ({
      %run_scoped3A = tpu.sem_alloc : memref<!tpu.dma_semaphore, #tpu.memory_space<semaphore_mem>>
      %dma_start3A_17 = tpu.memref_slice %arg3[%multiple_of3A] : memref<320000xi32, #tpu.memory_space<hbm>> -> memref<80xi32, #tpu.memory_space<hbm>>
      %dma_start3A_18 = tpu.memref_slice %arg3[%multiple_of3A] : memref<320000xi32, #tpu.memory_space<hbm>> -> memref<80xi32, #tpu.memory_space<hbm>>
      tpu.enqueue_dma source(%dma_start3A_18 : memref<80xi32, #tpu.memory_space<hbm>>) target(%arg8 : memref<80xi32, #tpu.memory_space<vmem>>) target_semaphore(%run_scoped3A : memref<!tpu.dma_semaphore, #tpu.memory_space<semaphore_mem>>)
      %dma_wait3A_19 = tpu.memref_slice %arg3[%multiple_of3A] : memref<320000xi32, #tpu.memory_space<hbm>> -> memref<80xi32, #tpu.memory_space<hbm>>
      %dma_wait3A_20 = tpu.memref_slice %arg3[%multiple_of3A] : memref<320000xi32, #tpu.memory_space<hbm>> -> memref<80xi32, #tpu.memory_space<hbm>>
      tpu.wait_dma2 semaphore(%run_scoped3A : memref<!tpu.dma_semaphore, #tpu.memory_space<semaphore_mem>>) src(%dma_wait3A_20 : memref<80xi32, #tpu.memory_space<hbm>>) dst(%arg8 : memref<80xi32, #tpu.memory_space<vmem>>)
      tpu.yield
    }) : () -> ()
    "tpu.region"() ({
      %run_scoped3A = tpu.sem_alloc : memref<!tpu.dma_semaphore, #tpu.memory_space<semaphore_mem>>
      %dma_start3A_17 = tpu.memref_slice %arg4[%multiple_of3A] : memref<320000xi32, #tpu.memory_space<hbm>> -> memref<80xi32, #tpu.memory_space<hbm>>
      %dma_start3A_18 = tpu.memref_slice %arg4[%multiple_of3A] : memref<320000xi32, #tpu.memory_space<hbm>> -> memref<80xi32, #tpu.memory_space<hbm>>
      tpu.enqueue_dma source(%dma_start3A_18 : memref<80xi32, #tpu.memory_space<hbm>>) target(%arg10 : memref<80xi32, #tpu.memory_space<vmem>>) target_semaphore(%run_scoped3A : memref<!tpu.dma_semaphore, #tpu.memory_space<semaphore_mem>>)
      %dma_wait3A_19 = tpu.memref_slice %arg4[%multiple_of3A] : memref<320000xi32, #tpu.memory_space<hbm>> -> memref<80xi32, #tpu.memory_space<hbm>>
      %dma_wait3A_20 = tpu.memref_slice %arg4[%multiple_of3A] : memref<320000xi32, #tpu.memory_space<hbm>> -> memref<80xi32, #tpu.memory_space<hbm>>
      tpu.wait_dma2 semaphore(%run_scoped3A : memref<!tpu.dma_semaphore, #tpu.memory_space<semaphore_mem>>) src(%dma_wait3A_20 : memref<80xi32, #tpu.memory_space<hbm>>) dst(%arg10 : memref<80xi32, #tpu.memory_space<vmem>>)
      tpu.yield
    }) : () -> ()
    %dma_start3A = arith.constant 0 : i32
    %dma_start3A_12 = arith.constant 0 : i32
    %dma_start3A_13 = tpu.memref_slice %arg2[%dma_start3A, %dma_start3A_12] : memref<10000x128xf32, #tpu.memory_space<hbm>> -> memref<10000x128xf32, #tpu.memory_space<hbm>>
    tpu.enqueue_indirect_dma source(%dma_start3A_13 : memref<10000x128xf32, #tpu.memory_space<hbm>>) target(%arg12 : memref<80x128xf32, #tpu.memory_space<vmem>>) offsets(%arg8 : memref<80xi32, #tpu.memory_space<vmem>>) semaphore(%arg14 : memref<!tpu.dma_semaphore, #tpu.memory_space<semaphore_mem>>)
    %dma_wait3A = arith.constant 0 : i32
    %dma_wait3A_14 = arith.constant 0 : i32
    %dma_wait3A_15 = tpu.memref_slice %arg2[%dma_wait3A, %dma_wait3A_14] : memref<10000x128xf32, #tpu.memory_space<hbm>> -> memref<10000x128xf32, #tpu.memory_space<hbm>>
    tpu.wait_indirect_dma semaphore(%arg14 : memref<!tpu.dma_semaphore, #tpu.memory_space<semaphore_mem>>) src(%dma_wait3A_15 : memref<10000x128xf32, #tpu.memory_space<hbm>>) dst(%arg12 : memref<80x128xf32, #tpu.memory_space<vmem>>)
    "tpu.region"() ({
      %run_scoped3A = tpu.sem_alloc : memref<!tpu.dma_semaphore, #tpu.memory_space<semaphore_mem>>
      %dma_start3A_17 = arith.constant 0 : i32
      %dma_start3A_18 = arith.constant 0 : i32
      %dma_start3A_19 = tpu.memref_slice %arg7[%dma_start3A_17, %dma_start3A_18] : memref<10112x128xf32, #tpu.memory_space<vmem_shared>> -> memref<10112x128xf32, #tpu.memory_space<vmem_shared>>
      tpu.enqueue_indirect_dma source(%arg12 : memref<80x128xf32, #tpu.memory_space<vmem>>) target(%dma_start3A_19 : memref<10112x128xf32, #tpu.memory_space<vmem_shared>>) offsets(%arg10 : memref<80xi32, #tpu.memory_space<vmem>>) semaphore(%run_scoped3A : memref<!tpu.dma_semaphore, #tpu.memory_space<semaphore_mem>>) {add = true}
      %dma_wait3A_20 = arith.constant 0 : i32
      %dma_wait3A_21 = arith.constant 0 : i32
      %dma_wait3A_22 = tpu.memref_slice %arg7[%dma_wait3A_20, %dma_wait3A_21] : memref<10112x128xf32, #tpu.memory_space<vmem_shared>> -> memref<10112x128xf32, #tpu.memory_space<vmem_shared>>
      tpu.wait_indirect_dma semaphore(%run_scoped3A : memref<!tpu.dma_semaphore, #tpu.memory_space<semaphore_mem>>) src(%arg12 : memref<80x128xf32, #tpu.memory_space<vmem>>) dst(%dma_wait3A_22 : memref<10112x128xf32, #tpu.memory_space<vmem_shared>>)
      tpu.yield
    }) : () -> ()
    %barrier3A_16 = arith.constant 0 : index
    tpu.barrier barrier_id(%barrier3A_16)
    "tpu.region"() ({
      %run_scoped3A = tpu.sem_alloc : memref<!tpu.dma_semaphore, #tpu.memory_space<semaphore_mem>>
      %dma_start3A_17 = arith.constant 0 : i32
      %dma_start3A_18 = tpu.memref_slice %arg6[%arg0, %mul3A_0, %dma_start3A_17] : memref<2x10112x128xf32, #tpu.memory_space<hbm>> -> memref<1x632x128xf32, #tpu.memory_space<hbm>>
      %dma_start3A_19 = tpu.memref_squeeze %dma_start3A_18 : memref<1x632x128xf32, #tpu.memory_space<hbm>> -> memref<632x128xf32, #tpu.memory_space<hbm>>
      %dma_start3A_20 = arith.constant 0 : i32
      %dma_start3A_21 = tpu.memref_slice %arg7[%mul3A_0, %dma_start3A_20] : memref<10112x128xf32, #tpu.memory_space<vmem_shared>> -> memref<632x128xf32, #tpu.memory_space<vmem_shared>>
      tpu.enqueue_dma source(%dma_start3A_21 : memref<632x128xf32, #tpu.memory_space<vmem_shared>>) target(%dma_start3A_19 : memref<632x128xf32, #tpu.memory_space<hbm>>) target_semaphore(%run_scoped3A : memref<!tpu.dma_semaphore, #tpu.memory_space<semaphore_mem>>)
      %dma_wait3A_22 = arith.constant 0 : i32
      %dma_wait3A_23 = tpu.memref_slice %arg6[%arg0, %mul3A_0, %dma_wait3A_22] : memref<2x10112x128xf32, #tpu.memory_space<hbm>> -> memref<1x632x128xf32, #tpu.memory_space<hbm>>
      %dma_wait3A_24 = tpu.memref_squeeze %dma_wait3A_23 : memref<1x632x128xf32, #tpu.memory_space<hbm>> -> memref<632x128xf32, #tpu.memory_space<hbm>>
      %dma_wait3A_25 = arith.constant 0 : i32
      %dma_wait3A_26 = tpu.memref_slice %arg7[%mul3A_0, %dma_wait3A_25] : memref<10112x128xf32, #tpu.memory_space<vmem_shared>> -> memref<632x128xf32, #tpu.memory_space<vmem_shared>>
      tpu.wait_dma2 semaphore(%run_scoped3A : memref<!tpu.dma_semaphore, #tpu.memory_space<semaphore_mem>>) src(%dma_wait3A_26 : memref<632x128xf32, #tpu.memory_space<vmem_shared>>) dst(%dma_wait3A_24 : memref<632x128xf32, #tpu.memory_space<hbm>>)
      tpu.yield
    }) : () -> ()
    return
  }
}

#map = affine_map<(d0, d1) -> (0)>
#map1 = affine_map<(d0, d1) -> (0, 0)>
#map2 = affine_map<(d0, d1) -> (0, 0, 0)>
module attributes {stable_mosaic.version = 14 : i64} {
  func.func @k(%arg0: i32, %arg1: i32, %arg2: memref<320000xi32, #tpu.memory_space<hbm>>, %arg3: memref<10112x16xf32, #tpu.memory_space<hbm>>, %arg4: memref<80x16xf32, #tpu.memory_space<hbm>>, %arg5: memref<2x10112x16xf32, #tpu.memory_space<hbm>>, %arg6: memref<10112x16xf32, #tpu.memory_space<vmem_shared>>, %arg7: memref<80xi32, #tpu.memory_space<vmem>>, %arg8: memref<80x16xf32, #tpu.memory_space<vmem>>) attributes {dimension_semantics = [#tpu.dimension_semantics<core_parallel>, #tpu.dimension_semantics<subcore_parallel>], iteration_bounds = array<i64: 2, 16>, scalar_prefetch = 0 : i64, scratch_operands = 3 : i64, tpu.core_type = #tpu.core_type<sc_vector_subcore>, window_params = [{transform_indices = #map}, {transform_indices = #map1}, {transform_indices = #map1}, {transform_indices = #map2}]} {
    %mul3A = arith.constant 632 : i32
    %mul3A_0 = arith.muli %arg1, %mul3A : i32
    "tpu.region"() ({
      %run_scoped3A = tpu.sem_alloc : memref<!tpu.dma_semaphore, #tpu.memory_space<semaphore_mem>>
      %dma_start3A = arith.constant 0 : i32
      %dma_start3A_11 = tpu.memref_slice %arg6[%mul3A_0, %dma_start3A] : memref<10112x16xf32, #tpu.memory_space<vmem_shared>> -> memref<632x16xf32, #tpu.memory_space<vmem_shared>>
      %dma_start3A_12 = arith.constant 0 : i32
      %dma_start3A_13 = tpu.memref_slice %arg3[%mul3A_0, %dma_start3A_12] : memref<10112x16xf32, #tpu.memory_space<hbm>> -> memref<632x16xf32, #tpu.memory_space<hbm>>
      tpu.enqueue_dma source(%dma_start3A_13 : memref<632x16xf32, #tpu.memory_space<hbm>>) target(%dma_start3A_11 : memref<632x16xf32, #tpu.memory_space<vmem_shared>>) target_semaphore(%run_scoped3A : memref<!tpu.dma_semaphore, #tpu.memory_space<semaphore_mem>>)
      %dma_wait3A = arith.constant 0 : i32
      %dma_wait3A_14 = tpu.memref_slice %arg6[%mul3A_0, %dma_wait3A] : memref<10112x16xf32, #tpu.memory_space<vmem_shared>> -> memref<632x16xf32, #tpu.memory_space<vmem_shared>>
      %dma_wait3A_15 = arith.constant 0 : i32
      %dma_wait3A_16 = tpu.memref_slice %arg3[%mul3A_0, %dma_wait3A_15] : memref<10112x16xf32, #tpu.memory_space<hbm>> -> memref<632x16xf32, #tpu.memory_space<hbm>>
      tpu.wait_dma2 semaphore(%run_scoped3A : memref<!tpu.dma_semaphore, #tpu.memory_space<semaphore_mem>>) src(%dma_wait3A_16 : memref<632x16xf32, #tpu.memory_space<hbm>>) dst(%dma_wait3A_14 : memref<632x16xf32, #tpu.memory_space<vmem_shared>>)
      tpu.yield
    }) : () -> ()
    "tpu.region"() ({
      %run_scoped3A = tpu.sem_alloc : memref<!tpu.dma_semaphore, #tpu.memory_space<semaphore_mem>>
      tpu.enqueue_dma source(%arg4 : memref<80x16xf32, #tpu.memory_space<hbm>>) target(%arg8 : memref<80x16xf32, #tpu.memory_space<vmem>>) target_semaphore(%run_scoped3A : memref<!tpu.dma_semaphore, #tpu.memory_space<semaphore_mem>>)
      tpu.wait_dma2 semaphore(%run_scoped3A : memref<!tpu.dma_semaphore, #tpu.memory_space<semaphore_mem>>) src(%arg4 : memref<80x16xf32, #tpu.memory_space<hbm>>) dst(%arg8 : memref<80x16xf32, #tpu.memory_space<vmem>>)
      tpu.yield
    }) : () -> ()
    %barrier3A = arith.constant 0 : index
    tpu.barrier barrier_id(%barrier3A)
    %mul3A_1 = arith.constant 160000 : i32
    %mul3A_2 = arith.muli %arg0, %mul3A_1 : i32
    %mul3A_3 = arith.constant 10000 : i32
    %mul3A_4 = arith.muli %arg1, %mul3A_3 : i32
    %add3A = arith.addi %mul3A_2, %mul3A_4 : i32
    %scan3A = arith.constant 0 : i32
    %scan3A_5 = arith.constant 0 : i32
    %scan3A_6 = arith.constant 125 : i32
    %scan3A_7 = arith.addi %scan3A_5, %scan3A_6 : i32
    %scan3A_8 = arith.constant 1 : i32
    scf.for %scan3A_11 = %scan3A_5 to %scan3A_7 step %scan3A_8  : i32 {
      %mul3A_12 = arith.constant 80 : i32
      %mul3A_13 = arith.muli %scan3A_11, %mul3A_12 : i32
      %add3A_14 = arith.addi %add3A, %mul3A_13 : i32
      %multiple_of3A = tpu.assume_multiple %add3A_14, 8 : i32
      "tpu.region"() ({
        %run_scoped3A = tpu.sem_alloc : memref<!tpu.dma_semaphore, #tpu.memory_space<semaphore_mem>>
        %dma_start3A = tpu.memref_slice %arg2[%multiple_of3A] : memref<320000xi32, #tpu.memory_space<hbm>> -> memref<80xi32, #tpu.memory_space<hbm>>
        %dma_start3A_15 = tpu.memref_slice %arg2[%multiple_of3A] : memref<320000xi32, #tpu.memory_space<hbm>> -> memref<80xi32, #tpu.memory_space<hbm>>
        tpu.enqueue_dma source(%dma_start3A_15 : memref<80xi32, #tpu.memory_space<hbm>>) target(%arg7 : memref<80xi32, #tpu.memory_space<vmem>>) target_semaphore(%run_scoped3A : memref<!tpu.dma_semaphore, #tpu.memory_space<semaphore_mem>>)
        %dma_wait3A = tpu.memref_slice %arg2[%multiple_of3A] : memref<320000xi32, #tpu.memory_space<hbm>> -> memref<80xi32, #tpu.memory_space<hbm>>
        %dma_wait3A_16 = tpu.memref_slice %arg2[%multiple_of3A] : memref<320000xi32, #tpu.memory_space<hbm>> -> memref<80xi32, #tpu.memory_space<hbm>>
        tpu.wait_dma2 semaphore(%run_scoped3A : memref<!tpu.dma_semaphore, #tpu.memory_space<semaphore_mem>>) src(%dma_wait3A_16 : memref<80xi32, #tpu.memory_space<hbm>>) dst(%arg7 : memref<80xi32, #tpu.memory_space<vmem>>)
        tpu.yield
      }) : () -> ()
      "tpu.region"() ({
        %run_scoped3A = tpu.sem_alloc : memref<!tpu.dma_semaphore, #tpu.memory_space<semaphore_mem>>
        %dma_start3A = arith.constant 0 : i32
        %dma_start3A_15 = arith.constant 0 : i32
        %dma_start3A_16 = tpu.memref_slice %arg6[%dma_start3A, %dma_start3A_15] : memref<10112x16xf32, #tpu.memory_space<vmem_shared>> -> memref<10112x16xf32, #tpu.memory_space<vmem_shared>>
        tpu.enqueue_indirect_dma source(%arg8 : memref<80x16xf32, #tpu.memory_space<vmem>>) target(%dma_start3A_16 : memref<10112x16xf32, #tpu.memory_space<vmem_shared>>) offsets(%arg7 : memref<80xi32, #tpu.memory_space<vmem>>) semaphore(%run_scoped3A : memref<!tpu.dma_semaphore, #tpu.memory_space<semaphore_mem>>) {add = true}
        %dma_wait3A = arith.constant 0 : i32
        %dma_wait3A_17 = arith.constant 0 : i32
        %dma_wait3A_18 = tpu.memref_slice %arg6[%dma_wait3A, %dma_wait3A_17] : memref<10112x16xf32, #tpu.memory_space<vmem_shared>> -> memref<10112x16xf32, #tpu.memory_space<vmem_shared>>
        tpu.wait_indirect_dma semaphore(%run_scoped3A : memref<!tpu.dma_semaphore, #tpu.memory_space<semaphore_mem>>) src(%arg8 : memref<80x16xf32, #tpu.memory_space<vmem>>) dst(%dma_wait3A_18 : memref<10112x16xf32, #tpu.memory_space<vmem_shared>>)
        tpu.yield
      }) : () -> ()
    }
    %scan3A_9 = arith.constant 125 : i32
    %barrier3A_10 = arith.constant 0 : index
    tpu.barrier barrier_id(%barrier3A_10)
    "tpu.region"() ({
      %run_scoped3A = tpu.sem_alloc : memref<!tpu.dma_semaphore, #tpu.memory_space<semaphore_mem>>
      %dma_start3A = arith.constant 0 : i32
      %dma_start3A_11 = tpu.memref_slice %arg5[%arg0, %mul3A_0, %dma_start3A] : memref<2x10112x16xf32, #tpu.memory_space<hbm>> -> memref<1x632x16xf32, #tpu.memory_space<hbm>>
      %dma_start3A_12 = tpu.memref_squeeze %dma_start3A_11 : memref<1x632x16xf32, #tpu.memory_space<hbm>> -> memref<632x16xf32, #tpu.memory_space<hbm>>
      %dma_start3A_13 = arith.constant 0 : i32
      %dma_start3A_14 = tpu.memref_slice %arg6[%mul3A_0, %dma_start3A_13] : memref<10112x16xf32, #tpu.memory_space<vmem_shared>> -> memref<632x16xf32, #tpu.memory_space<vmem_shared>>
      tpu.enqueue_dma source(%dma_start3A_14 : memref<632x16xf32, #tpu.memory_space<vmem_shared>>) target(%dma_start3A_12 : memref<632x16xf32, #tpu.memory_space<hbm>>) target_semaphore(%run_scoped3A : memref<!tpu.dma_semaphore, #tpu.memory_space<semaphore_mem>>)
      %dma_wait3A = arith.constant 0 : i32
      %dma_wait3A_15 = tpu.memref_slice %arg5[%arg0, %mul3A_0, %dma_wait3A] : memref<2x10112x16xf32, #tpu.memory_space<hbm>> -> memref<1x632x16xf32, #tpu.memory_space<hbm>>
      %dma_wait3A_16 = tpu.memref_squeeze %dma_wait3A_15 : memref<1x632x16xf32, #tpu.memory_space<hbm>> -> memref<632x16xf32, #tpu.memory_space<hbm>>
      %dma_wait3A_17 = arith.constant 0 : i32
      %dma_wait3A_18 = tpu.memref_slice %arg6[%mul3A_0, %dma_wait3A_17] : memref<10112x16xf32, #tpu.memory_space<vmem_shared>> -> memref<632x16xf32, #tpu.memory_space<vmem_shared>>
      tpu.wait_dma2 semaphore(%run_scoped3A : memref<!tpu.dma_semaphore, #tpu.memory_space<semaphore_mem>>) src(%dma_wait3A_18 : memref<632x16xf32, #tpu.memory_space<vmem_shared>>) dst(%dma_wait3A_16 : memref<632x16xf32, #tpu.memory_space<hbm>>)
      tpu.yield
    }) : () -> ()
    return
  }
}

#map = affine_map<(d0, d1) -> (0, 0)>
#map1 = affine_map<(d0, d1) -> (0)>
#map2 = affine_map<(d0, d1) -> (0, 0, 0)>
module attributes {stable_mosaic.version = 14 : i64} {
  func.func @k(%arg0: i32, %arg1: i32, %arg2: memref<10000x128xf32, #tpu.memory_space<hbm>>, %arg3: memref<320000xi32, #tpu.memory_space<hbm>>, %arg4: memref<320000xi32, #tpu.memory_space<hbm>>, %arg5: memref<10112x128xf32, #tpu.memory_space<hbm>>, %arg6: memref<2x10112x128xf32, #tpu.memory_space<hbm>>, %arg7: memref<10112x128xf32, #tpu.memory_space<vmem_shared>>, %arg8: memref<80xi32, #tpu.memory_space<vmem>>, %arg9: memref<80xi32, #tpu.memory_space<vmem>>, %arg10: memref<80xi32, #tpu.memory_space<vmem>>, %arg11: memref<80xi32, #tpu.memory_space<vmem>>, %arg12: memref<80x128xf32, #tpu.memory_space<vmem>>, %arg13: memref<80x128xf32, #tpu.memory_space<vmem>>, %arg14: memref<!tpu.dma_semaphore, #tpu.memory_space<semaphore_mem>>, %arg15: memref<!tpu.dma_semaphore, #tpu.memory_space<semaphore_mem>>) attributes {dimension_semantics = [#tpu.dimension_semantics<core_parallel>, #tpu.dimension_semantics<subcore_parallel>], iteration_bounds = array<i64: 2, 16>, scalar_prefetch = 0 : i64, scratch_operands = 9 : i64, tpu.core_type = #tpu.core_type<sc_vector_subcore>, window_params = [{transform_indices = #map}, {transform_indices = #map1}, {transform_indices = #map1}, {transform_indices = #map}, {transform_indices = #map2}]} {
    %mul3A = arith.constant 632 : i32
    %mul3A_0 = arith.muli %arg1, %mul3A : i32
    "tpu.region"() ({
      %run_scoped3A = tpu.sem_alloc : memref<!tpu.dma_semaphore, #tpu.memory_space<semaphore_mem>>
      %dma_start3A_17 = arith.constant 0 : i32
      %dma_start3A_18 = tpu.memref_slice %arg7[%mul3A_0, %dma_start3A_17] : memref<10112x128xf32, #tpu.memory_space<vmem_shared>> -> memref<632x128xf32, #tpu.memory_space<vmem_shared>>
      %dma_start3A_19 = arith.constant 0 : i32
      %dma_start3A_20 = tpu.memref_slice %arg5[%mul3A_0, %dma_start3A_19] : memref<10112x128xf32, #tpu.memory_space<hbm>> -> memref<632x128xf32, #tpu.memory_space<hbm>>
      tpu.enqueue_dma source(%dma_start3A_20 : memref<632x128xf32, #tpu.memory_space<hbm>>) target(%dma_start3A_18 : memref<632x128xf32, #tpu.memory_space<vmem_shared>>) target_semaphore(%run_scoped3A : memref<!tpu.dma_semaphore, #tpu.memory_space<semaphore_mem>>)
      %dma_wait3A_21 = arith.constant 0 : i32
      %dma_wait3A_22 = tpu.memref_slice %arg7[%mul3A_0, %dma_wait3A_21] : memref<10112x128xf32, #tpu.memory_space<vmem_shared>> -> memref<632x128xf32, #tpu.memory_space<vmem_shared>>
      %dma_wait3A_23 = arith.constant 0 : i32
      %dma_wait3A_24 = tpu.memref_slice %arg5[%mul3A_0, %dma_wait3A_23] : memref<10112x128xf32, #tpu.memory_space<hbm>> -> memref<632x128xf32, #tpu.memory_space<hbm>>
      tpu.wait_dma2 semaphore(%run_scoped3A : memref<!tpu.dma_semaphore, #tpu.memory_space<semaphore_mem>>) src(%dma_wait3A_24 : memref<632x128xf32, #tpu.memory_space<hbm>>) dst(%dma_wait3A_22 : memref<632x128xf32, #tpu.memory_space<vmem_shared>>)
      tpu.yield
    }) : () -> ()
    %barrier3A = arith.constant 0 : index
    tpu.barrier barrier_id(%barrier3A)
    %mul3A_1 = arith.constant 160000 : i32
    %mul3A_2 = arith.muli %arg0, %mul3A_1 : i32
    %mul3A_3 = arith.constant 10000 : i32
    %mul3A_4 = arith.muli %arg1, %mul3A_3 : i32
    %add3A = arith.addi %mul3A_2, %mul3A_4 : i32
    %scan3A = arith.constant 0 : i32
    %scan3A_5 = arith.constant 0 : i32
    %scan3A_6 = arith.constant 62 : i32
    %scan3A_7 = arith.addi %scan3A_5, %scan3A_6 : i32
    %scan3A_8 = arith.constant 1 : i32
    scf.for %scan3A_17 = %scan3A_5 to %scan3A_7 step %scan3A_8  : i32 {
      %mul3A_18 = arith.constant 2 : i32
      %mul3A_19 = arith.muli %scan3A_17, %mul3A_18 : i32
      %mul3A_20 = arith.constant 80 : i32
      %mul3A_21 = arith.muli %mul3A_19, %mul3A_20 : i32
      %add3A_22 = arith.addi %add3A, %mul3A_21 : i32
      %multiple_of3A_23 = tpu.assume_multiple %add3A_22, 8 : i32
      "tpu.region"() ({
        %run_scoped3A = tpu.sem_alloc : memref<!tpu.dma_semaphore, #tpu.memory_space<semaphore_mem>>
        %dma_start3A_42 = tpu.memref_slice %arg3[%multiple_of3A_23] : memref<320000xi32, #tpu.memory_space<hbm>> -> memref<80xi32, #tpu.memory_space<hbm>>
        %dma_start3A_43 = tpu.memref_slice %arg3[%multiple_of3A_23] : memref<320000xi32, #tpu.memory_space<hbm>> -> memref<80xi32, #tpu.memory_space<hbm>>
        tpu.enqueue_dma source(%dma_start3A_43 : memref<80xi32, #tpu.memory_space<hbm>>) target(%arg8 : memref<80xi32, #tpu.memory_space<vmem>>) target_semaphore(%run_scoped3A : memref<!tpu.dma_semaphore, #tpu.memory_space<semaphore_mem>>)
        %dma_wait3A_44 = tpu.memref_slice %arg3[%multiple_of3A_23] : memref<320000xi32, #tpu.memory_space<hbm>> -> memref<80xi32, #tpu.memory_space<hbm>>
        %dma_wait3A_45 = tpu.memref_slice %arg3[%multiple_of3A_23] : memref<320000xi32, #tpu.memory_space<hbm>> -> memref<80xi32, #tpu.memory_space<hbm>>
        tpu.wait_dma2 semaphore(%run_scoped3A : memref<!tpu.dma_semaphore, #tpu.memory_space<semaphore_mem>>) src(%dma_wait3A_45 : memref<80xi32, #tpu.memory_space<hbm>>) dst(%arg8 : memref<80xi32, #tpu.memory_space<vmem>>)
        tpu.yield
      }) : () -> ()
      "tpu.region"() ({
        %run_scoped3A = tpu.sem_alloc : memref<!tpu.dma_semaphore, #tpu.memory_space<semaphore_mem>>
        %dma_start3A_42 = tpu.memref_slice %arg4[%multiple_of3A_23] : memref<320000xi32, #tpu.memory_space<hbm>> -> memref<80xi32, #tpu.memory_space<hbm>>
        %dma_start3A_43 = tpu.memref_slice %arg4[%multiple_of3A_23] : memref<320000xi32, #tpu.memory_space<hbm>> -> memref<80xi32, #tpu.memory_space<hbm>>
        tpu.enqueue_dma source(%dma_start3A_43 : memref<80xi32, #tpu.memory_space<hbm>>) target(%arg10 : memref<80xi32, #tpu.memory_space<vmem>>) target_semaphore(%run_scoped3A : memref<!tpu.dma_semaphore, #tpu.memory_space<semaphore_mem>>)
        %dma_wait3A_44 = tpu.memref_slice %arg4[%multiple_of3A_23] : memref<320000xi32, #tpu.memory_space<hbm>> -> memref<80xi32, #tpu.memory_space<hbm>>
        %dma_wait3A_45 = tpu.memref_slice %arg4[%multiple_of3A_23] : memref<320000xi32, #tpu.memory_space<hbm>> -> memref<80xi32, #tpu.memory_space<hbm>>
        tpu.wait_dma2 semaphore(%run_scoped3A : memref<!tpu.dma_semaphore, #tpu.memory_space<semaphore_mem>>) src(%dma_wait3A_45 : memref<80xi32, #tpu.memory_space<hbm>>) dst(%arg10 : memref<80xi32, #tpu.memory_space<vmem>>)
        tpu.yield
      }) : () -> ()
      %dma_start3A_24 = arith.constant 0 : i32
      %dma_start3A_25 = arith.constant 0 : i32
      %dma_start3A_26 = tpu.memref_slice %arg2[%dma_start3A_24, %dma_start3A_25] : memref<10000x128xf32, #tpu.memory_space<hbm>> -> memref<10000x128xf32, #tpu.memory_space<hbm>>
      tpu.enqueue_indirect_dma source(%dma_start3A_26 : memref<10000x128xf32, #tpu.memory_space<hbm>>) target(%arg12 : memref<80x128xf32, #tpu.memory_space<vmem>>) offsets(%arg8 : memref<80xi32, #tpu.memory_space<vmem>>) semaphore(%arg14 : memref<!tpu.dma_semaphore, #tpu.memory_space<semaphore_mem>>)
      %add3A_27 = arith.constant 1 : i32
      %add3A_28 = arith.addi %mul3A_19, %add3A_27 : i32
      %mul3A_29 = arith.constant 80 : i32
      %mul3A_30 = arith.muli %add3A_28, %mul3A_29 : i32
      %add3A_31 = arith.addi %add3A, %mul3A_30 : i32
      %multiple_of3A_32 = tpu.assume_multiple %add3A_31, 8 : i32
      "tpu.region"() ({
        %run_scoped3A = tpu.sem_alloc : memref<!tpu.dma_semaphore, #tpu.memory_space<semaphore_mem>>
        %dma_start3A_42 = tpu.memref_slice %arg3[%multiple_of3A_32] : memref<320000xi32, #tpu.memory_space<hbm>> -> memref<80xi32, #tpu.memory_space<hbm>>
        %dma_start3A_43 = tpu.memref_slice %arg3[%multiple_of3A_32] : memref<320000xi32, #tpu.memory_space<hbm>> -> memref<80xi32, #tpu.memory_space<hbm>>
        tpu.enqueue_dma source(%dma_start3A_43 : memref<80xi32, #tpu.memory_space<hbm>>) target(%arg9 : memref<80xi32, #tpu.memory_space<vmem>>) target_semaphore(%run_scoped3A : memref<!tpu.dma_semaphore, #tpu.memory_space<semaphore_mem>>)
        %dma_wait3A_44 = tpu.memref_slice %arg3[%multiple_of3A_32] : memref<320000xi32, #tpu.memory_space<hbm>> -> memref<80xi32, #tpu.memory_space<hbm>>
        %dma_wait3A_45 = tpu.memref_slice %arg3[%multiple_of3A_32] : memref<320000xi32, #tpu.memory_space<hbm>> -> memref<80xi32, #tpu.memory_space<hbm>>
        tpu.wait_dma2 semaphore(%run_scoped3A : memref<!tpu.dma_semaphore, #tpu.memory_space<semaphore_mem>>) src(%dma_wait3A_45 : memref<80xi32, #tpu.memory_space<hbm>>) dst(%arg9 : memref<80xi32, #tpu.memory_space<vmem>>)
        tpu.yield
      }) : () -> ()
      "tpu.region"() ({
        %run_scoped3A = tpu.sem_alloc : memref<!tpu.dma_semaphore, #tpu.memory_space<semaphore_mem>>
        %dma_start3A_42 = tpu.memref_slice %arg4[%multiple_of3A_32] : memref<320000xi32, #tpu.memory_space<hbm>> -> memref<80xi32, #tpu.memory_space<hbm>>
        %dma_start3A_43 = tpu.memref_slice %arg4[%multiple_of3A_32] : memref<320000xi32, #tpu.memory_space<hbm>> -> memref<80xi32, #tpu.memory_space<hbm>>
        tpu.enqueue_dma source(%dma_start3A_43 : memref<80xi32, #tpu.memory_space<hbm>>) target(%arg11 : memref<80xi32, #tpu.memory_space<vmem>>) target_semaphore(%run_scoped3A : memref<!tpu.dma_semaphore, #tpu.memory_space<semaphore_mem>>)
        %dma_wait3A_44 = tpu.memref_slice %arg4[%multiple_of3A_32] : memref<320000xi32, #tpu.memory_space<hbm>> -> memref<80xi32, #tpu.memory_space<hbm>>
        %dma_wait3A_45 = tpu.memref_slice %arg4[%multiple_of3A_32] : memref<320000xi32, #tpu.memory_space<hbm>> -> memref<80xi32, #tpu.memory_space<hbm>>
        tpu.wait_dma2 semaphore(%run_scoped3A : memref<!tpu.dma_semaphore, #tpu.memory_space<semaphore_mem>>) src(%dma_wait3A_45 : memref<80xi32, #tpu.memory_space<hbm>>) dst(%arg11 : memref<80xi32, #tpu.memory_space<vmem>>)
        tpu.yield
      }) : () -> ()
      %dma_start3A_33 = arith.constant 0 : i32
      %dma_start3A_34 = arith.constant 0 : i32
      %dma_start3A_35 = tpu.memref_slice %arg2[%dma_start3A_33, %dma_start3A_34] : memref<10000x128xf32, #tpu.memory_space<hbm>> -> memref<10000x128xf32, #tpu.memory_space<hbm>>
      tpu.enqueue_indirect_dma source(%dma_start3A_35 : memref<10000x128xf32, #tpu.memory_space<hbm>>) target(%arg13 : memref<80x128xf32, #tpu.memory_space<vmem>>) offsets(%arg9 : memref<80xi32, #tpu.memory_space<vmem>>) semaphore(%arg15 : memref<!tpu.dma_semaphore, #tpu.memory_space<semaphore_mem>>)
      %dma_wait3A_36 = arith.constant 0 : i32
      %dma_wait3A_37 = arith.constant 0 : i32
      %dma_wait3A_38 = tpu.memref_slice %arg2[%dma_wait3A_36, %dma_wait3A_37] : memref<10000x128xf32, #tpu.memory_space<hbm>> -> memref<10000x128xf32, #tpu.memory_space<hbm>>
      tpu.wait_indirect_dma semaphore(%arg14 : memref<!tpu.dma_semaphore, #tpu.memory_space<semaphore_mem>>) src(%dma_wait3A_38 : memref<10000x128xf32, #tpu.memory_space<hbm>>) dst(%arg12 : memref<80x128xf32, #tpu.memory_space<vmem>>)
      "tpu.region"() ({
        %run_scoped3A = tpu.sem_alloc : memref<!tpu.dma_semaphore, #tpu.memory_space<semaphore_mem>>
        %dma_start3A_42 = arith.constant 0 : i32
        %dma_start3A_43 = arith.constant 0 : i32
        %dma_start3A_44 = tpu.memref_slice %arg7[%dma_start3A_42, %dma_start3A_43] : memref<10112x128xf32, #tpu.memory_space<vmem_shared>> -> memref<10112x128xf32, #tpu.memory_space<vmem_shared>>
        tpu.enqueue_indirect_dma source(%arg12 : memref<80x128xf32, #tpu.memory_space<vmem>>) target(%dma_start3A_44 : memref<10112x128xf32, #tpu.memory_space<vmem_shared>>) offsets(%arg10 : memref<80xi32, #tpu.memory_space<vmem>>) semaphore(%run_scoped3A : memref<!tpu.dma_semaphore, #tpu.memory_space<semaphore_mem>>) {add = true}
        %dma_wait3A_45 = arith.constant 0 : i32
        %dma_wait3A_46 = arith.constant 0 : i32
        %dma_wait3A_47 = tpu.memref_slice %arg7[%dma_wait3A_45, %dma_wait3A_46] : memref<10112x128xf32, #tpu.memory_space<vmem_shared>> -> memref<10112x128xf32, #tpu.memory_space<vmem_shared>>
        tpu.wait_indirect_dma semaphore(%run_scoped3A : memref<!tpu.dma_semaphore, #tpu.memory_space<semaphore_mem>>) src(%arg12 : memref<80x128xf32, #tpu.memory_space<vmem>>) dst(%dma_wait3A_47 : memref<10112x128xf32, #tpu.memory_space<vmem_shared>>)
        tpu.yield
      }) : () -> ()
      %dma_wait3A_39 = arith.constant 0 : i32
      %dma_wait3A_40 = arith.constant 0 : i32
      %dma_wait3A_41 = tpu.memref_slice %arg2[%dma_wait3A_39, %dma_wait3A_40] : memref<10000x128xf32, #tpu.memory_space<hbm>> -> memref<10000x128xf32, #tpu.memory_space<hbm>>
      tpu.wait_indirect_dma semaphore(%arg15 : memref<!tpu.dma_semaphore, #tpu.memory_space<semaphore_mem>>) src(%dma_wait3A_41 : memref<10000x128xf32, #tpu.memory_space<hbm>>) dst(%arg13 : memref<80x128xf32, #tpu.memory_space<vmem>>)
      "tpu.region"() ({
        %run_scoped3A = tpu.sem_alloc : memref<!tpu.dma_semaphore, #tpu.memory_space<semaphore_mem>>
        %dma_start3A_42 = arith.constant 0 : i32
        %dma_start3A_43 = arith.constant 0 : i32
        %dma_start3A_44 = tpu.memref_slice %arg7[%dma_start3A_42, %dma_start3A_43] : memref<10112x128xf32, #tpu.memory_space<vmem_shared>> -> memref<10112x128xf32, #tpu.memory_space<vmem_shared>>
        tpu.enqueue_indirect_dma source(%arg13 : memref<80x128xf32, #tpu.memory_space<vmem>>) target(%dma_start3A_44 : memref<10112x128xf32, #tpu.memory_space<vmem_shared>>) offsets(%arg11 : memref<80xi32, #tpu.memory_space<vmem>>) semaphore(%run_scoped3A : memref<!tpu.dma_semaphore, #tpu.memory_space<semaphore_mem>>) {add = true}
        %dma_wait3A_45 = arith.constant 0 : i32
        %dma_wait3A_46 = arith.constant 0 : i32
        %dma_wait3A_47 = tpu.memref_slice %arg7[%dma_wait3A_45, %dma_wait3A_46] : memref<10112x128xf32, #tpu.memory_space<vmem_shared>> -> memref<10112x128xf32, #tpu.memory_space<vmem_shared>>
        tpu.wait_indirect_dma semaphore(%run_scoped3A : memref<!tpu.dma_semaphore, #tpu.memory_space<semaphore_mem>>) src(%arg13 : memref<80x128xf32, #tpu.memory_space<vmem>>) dst(%dma_wait3A_47 : memref<10112x128xf32, #tpu.memory_space<vmem_shared>>)
        tpu.yield
      }) : () -> ()
    }
    %scan3A_9 = arith.constant 62 : i32
    %add3A_10 = arith.constant 9920 : i32
    %add3A_11 = arith.addi %add3A, %add3A_10 : i32
    %multiple_of3A = tpu.assume_multiple %add3A_11, 8 : i32
    "tpu.region"() ({
      %run_scoped3A = tpu.sem_alloc : memref<!tpu.dma_semaphore, #tpu.memory_space<semaphore_mem>>
      %dma_start3A_17 = tpu.memref_slice %arg3[%multiple_of3A] : memref<320000xi32, #tpu.memory_space<hbm>> -> memref<80xi32, #tpu.memory_space<hbm>>
      %dma_start3A_18 = tpu.memref_slice %arg3[%multiple_of3A] : memref<320000xi32, #tpu.memory_space<hbm>> -> memref<80xi32, #tpu.memory_space<hbm>>
      tpu.enqueue_dma source(%dma_start3A_18 : memref<80xi32, #tpu.memory_space<hbm>>) target(%arg8 : memref<80xi32, #tpu.memory_space<vmem>>) target_semaphore(%run_scoped3A : memref<!tpu.dma_semaphore, #tpu.memory_space<semaphore_mem>>)
      %dma_wait3A_19 = tpu.memref_slice %arg3[%multiple_of3A] : memref<320000xi32, #tpu.memory_space<hbm>> -> memref<80xi32, #tpu.memory_space<hbm>>
      %dma_wait3A_20 = tpu.memref_slice %arg3[%multiple_of3A] : memref<320000xi32, #tpu.memory_space<hbm>> -> memref<80xi32, #tpu.memory_space<hbm>>
      tpu.wait_dma2 semaphore(%run_scoped3A : memref<!tpu.dma_semaphore, #tpu.memory_space<semaphore_mem>>) src(%dma_wait3A_20 : memref<80xi32, #tpu.memory_space<hbm>>) dst(%arg8 : memref<80xi32, #tpu.memory_space<vmem>>)
      tpu.yield
    }) : () -> ()
    "tpu.region"() ({
      %run_scoped3A = tpu.sem_alloc : memref<!tpu.dma_semaphore, #tpu.memory_space<semaphore_mem>>
      %dma_start3A_17 = tpu.memref_slice %arg4[%multiple_of3A] : memref<320000xi32, #tpu.memory_space<hbm>> -> memref<80xi32, #tpu.memory_space<hbm>>
      %dma_start3A_18 = tpu.memref_slice %arg4[%multiple_of3A] : memref<320000xi32, #tpu.memory_space<hbm>> -> memref<80xi32, #tpu.memory_space<hbm>>
      tpu.enqueue_dma source(%dma_start3A_18 : memref<80xi32, #tpu.memory_space<hbm>>) target(%arg10 : memref<80xi32, #tpu.memory_space<vmem>>) target_semaphore(%run_scoped3A : memref<!tpu.dma_semaphore, #tpu.memory_space<semaphore_mem>>)
      %dma_wait3A_19 = tpu.memref_slice %arg4[%multiple_of3A] : memref<320000xi32, #tpu.memory_space<hbm>> -> memref<80xi32, #tpu.memory_space<hbm>>
      %dma_wait3A_20 = tpu.memref_slice %arg4[%multiple_of3A] : memref<320000xi32, #tpu.memory_space<hbm>> -> memref<80xi32, #tpu.memory_space<hbm>>
      tpu.wait_dma2 semaphore(%run_scoped3A : memref<!tpu.dma_semaphore, #tpu.memory_space<semaphore_mem>>) src(%dma_wait3A_20 : memref<80xi32, #tpu.memory_space<hbm>>) dst(%arg10 : memref<80xi32, #tpu.memory_space<vmem>>)
      tpu.yield
    }) : () -> ()
    %dma_start3A = arith.constant 0 : i32
    %dma_start3A_12 = arith.constant 0 : i32
    %dma_start3A_13 = tpu.memref_slice %arg2[%dma_start3A, %dma_start3A_12] : memref<10000x128xf32, #tpu.memory_space<hbm>> -> memref<10000x128xf32, #tpu.memory_space<hbm>>
    tpu.enqueue_indirect_dma source(%dma_start3A_13 : memref<10000x128xf32, #tpu.memory_space<hbm>>) target(%arg12 : memref<80x128xf32, #tpu.memory_space<vmem>>) offsets(%arg8 : memref<80xi32, #tpu.memory_space<vmem>>) semaphore(%arg14 : memref<!tpu.dma_semaphore, #tpu.memory_space<semaphore_mem>>)
    %dma_wait3A = arith.constant 0 : i32
    %dma_wait3A_14 = arith.constant 0 : i32
    %dma_wait3A_15 = tpu.memref_slice %arg2[%dma_wait3A, %dma_wait3A_14] : memref<10000x128xf32, #tpu.memory_space<hbm>> -> memref<10000x128xf32, #tpu.memory_space<hbm>>
    tpu.wait_indirect_dma semaphore(%arg14 : memref<!tpu.dma_semaphore, #tpu.memory_space<semaphore_mem>>) src(%dma_wait3A_15 : memref<10000x128xf32, #tpu.memory_space<hbm>>) dst(%arg12 : memref<80x128xf32, #tpu.memory_space<vmem>>)
    "tpu.region"() ({
      %run_scoped3A = tpu.sem_alloc : memref<!tpu.dma_semaphore, #tpu.memory_space<semaphore_mem>>
      %dma_start3A_17 = arith.constant 0 : i32
      %dma_start3A_18 = arith.constant 0 : i32
      %dma_start3A_19 = tpu.memref_slice %arg7[%dma_start3A_17, %dma_start3A_18] : memref<10112x128xf32, #tpu.memory_space<vmem_shared>> -> memref<10112x128xf32, #tpu.memory_space<vmem_shared>>
      tpu.enqueue_indirect_dma source(%arg12 : memref<80x128xf32, #tpu.memory_space<vmem>>) target(%dma_start3A_19 : memref<10112x128xf32, #tpu.memory_space<vmem_shared>>) offsets(%arg10 : memref<80xi32, #tpu.memory_space<vmem>>) semaphore(%run_scoped3A : memref<!tpu.dma_semaphore, #tpu.memory_space<semaphore_mem>>) {add = true}
      %dma_wait3A_20 = arith.constant 0 : i32
      %dma_wait3A_21 = arith.constant 0 : i32
      %dma_wait3A_22 = tpu.memref_slice %arg7[%dma_wait3A_20, %dma_wait3A_21] : memref<10112x128xf32, #tpu.memory_space<vmem_shared>> -> memref<10112x128xf32, #tpu.memory_space<vmem_shared>>
      tpu.wait_indirect_dma semaphore(%run_scoped3A : memref<!tpu.dma_semaphore, #tpu.memory_space<semaphore_mem>>) src(%arg12 : memref<80x128xf32, #tpu.memory_space<vmem>>) dst(%dma_wait3A_22 : memref<10112x128xf32, #tpu.memory_space<vmem_shared>>)
      tpu.yield
    }) : () -> ()
    %barrier3A_16 = arith.constant 0 : index
    tpu.barrier barrier_id(%barrier3A_16)
    "tpu.region"() ({
      %run_scoped3A = tpu.sem_alloc : memref<!tpu.dma_semaphore, #tpu.memory_space<semaphore_mem>>
      %dma_start3A_17 = arith.constant 0 : i32
      %dma_start3A_18 = tpu.memref_slice %arg6[%arg0, %mul3A_0, %dma_start3A_17] : memref<2x10112x128xf32, #tpu.memory_space<hbm>> -> memref<1x632x128xf32, #tpu.memory_space<hbm>>
      %dma_start3A_19 = tpu.memref_squeeze %dma_start3A_18 : memref<1x632x128xf32, #tpu.memory_space<hbm>> -> memref<632x128xf32, #tpu.memory_space<hbm>>
      %dma_start3A_20 = arith.constant 0 : i32
      %dma_start3A_21 = tpu.memref_slice %arg7[%mul3A_0, %dma_start3A_20] : memref<10112x128xf32, #tpu.memory_space<vmem_shared>> -> memref<632x128xf32, #tpu.memory_space<vmem_shared>>
      tpu.enqueue_dma source(%dma_start3A_21 : memref<632x128xf32, #tpu.memory_space<vmem_shared>>) target(%dma_start3A_19 : memref<632x128xf32, #tpu.memory_space<hbm>>) target_semaphore(%run_scoped3A : memref<!tpu.dma_semaphore, #tpu.memory_space<semaphore_mem>>)
      %dma_wait3A_22 = arith.constant 0 : i32
      %dma_wait3A_23 = tpu.memref_slice %arg6[%arg0, %mul3A_0, %dma_wait3A_22] : memref<2x10112x128xf32, #tpu.memory_space<hbm>> -> memref<1x632x128xf32, #tpu.memory_space<hbm>>
      %dma_wait3A_24 = tpu.memref_squeeze %dma_wait3A_23 : memref<1x632x128xf32, #tpu.memory_space<hbm>> -> memref<632x128xf32, #tpu.memory_space<hbm>>
      %dma_wait3A_25 = arith.constant 0 : i32
      %dma_wait3A_26 = tpu.memref_slice %arg7[%mul3A_0, %dma_wait3A_25] : memref<10112x128xf32, #tpu.memory_space<vmem_shared>> -> memref<632x128xf32, #tpu.memory_space<vmem_shared>>
      tpu.wait_dma2 semaphore(%run_scoped3A : memref<!tpu.dma_semaphore, #tpu.memory_space<semaphore_mem>>) src(%dma_wait3A_26 : memref<632x128xf32, #tpu.memory_space<vmem_shared>>) dst(%dma_wait3A_24 : memref<632x128xf32, #tpu.memory_space<hbm>>)
      tpu.yield
    }) : () -> ()
    return
  }
}

module attributes {stable_mosaic.version = 14 : i64} {
  func.func @body(%arg0: i32, %arg1: memref<1000x128xf32, #tpu.memory_space<vmem>>, %arg2: memref<128x128xf32, #tpu.memory_space<vmem>>, %arg3: memref<2x1000x16xf32, #tpu.memory_space<vmem>>, %arg4: memref<1000x128xf32, #tpu.memory_space<vmem>>, %arg5: memref<1000x128xf32, #tpu.memory_space<vmem>>) attributes {dimension_semantics = [#tpu.dimension_semantics<arbitrary>], iteration_bounds = array<i64: 10>, scalar_prefetch = 0 : i64, scratch_operands = 0 : i64, tpu.core_type = #tpu.core_type<tc>, window_params = [{transform_indices = @transform_0, window_bounds = array<i64: 1000, 128>}, {pipeline_mode = #tpu.pipeline_mode<synchronous>, transform_indices = @transform_1, window_bounds = array<i64: 128, 128>}, {transform_indices = @transform_2, window_bounds = array<i64: 2, 1000, 16>}, {transform_indices = @transform_3, window_bounds = array<i64: 1000, 128>}, {transform_indices = @transform_4, window_bounds = array<i64: 1000, 128>}]} {
    %get3A = arith.constant 0 : index
    %get3A_0 = arith.constant 0 : index
    %get3A_1 = arith.constant 0 : index
    %get3A_2 = vector.load %arg3[%get3A, %get3A_0, %get3A_1] : memref<2x1000x16xf32, #tpu.memory_space<vmem>>, vector<1x1000x1xf32>
    %get3A_3 = vector.shape_cast %get3A_2 : vector<1x1000x1xf32> to vector<1000x1xf32>
    %get3A_4 = arith.constant 1 : index
    %get3A_5 = arith.constant 0 : index
    %get3A_6 = arith.constant 0 : index
    %get3A_7 = vector.load %arg3[%get3A_4, %get3A_5, %get3A_6] : memref<2x1000x16xf32, #tpu.memory_space<vmem>>, vector<1x1000x1xf32>
    %get3A_8 = vector.shape_cast %get3A_7 : vector<1x1000x1xf32> to vector<1000x1xf32>
    %add3A = arith.addf %get3A_3, %get3A_8 : vector<1000x1xf32>
    %add3A_9 = arith.constant 1.000000e+00 : f32
    %add3A_10 = vector.broadcast %add3A_9 : f32 to vector<1000x1xf32>
    %add3A_11 = arith.addf %add3A, %add3A_10 : vector<1000x1xf32>
    %rsqrt3A = math.rsqrt %add3A_11 : vector<1000x1xf32>
    %get3A_12 = arith.constant 0 : index
    %get3A_13 = arith.constant 0 : index
    %get3A_14 = vector.load %arg1[%get3A_12, %get3A_13] : memref<1000x128xf32, #tpu.memory_space<vmem>>, vector<1000x128xf32>
    %get3A_15 = arith.constant 0 : index
    %get3A_16 = arith.constant 0 : index
    %get3A_17 = vector.load %arg2[%get3A_15, %get3A_16] : memref<128x128xf32, #tpu.memory_space<vmem>>, vector<128x128xf32>
    %dot_general3A = arith.constant dense<0.000000e+00> : vector<1000x128xf32>
    %dot_general3A_18 = tpu.matmul %get3A_14, %get3A_17, %dot_general3A {dimension_numbers = #tpu.dot_dimension_numbers<[1], [0], [0], [1], [0, 0, 1, 1], [], []>, transpose_lhs_hint = false} : vector<1000x128xf32>, vector<128x128xf32>, vector<1000x128xf32> -> vector<1000x128xf32>
    %swap3A = arith.constant 0 : index
    %swap3A_19 = arith.constant 0 : index
    %swap3A_20 = vector.load %arg4[%swap3A, %swap3A_19] : memref<1000x128xf32, #tpu.memory_space<vmem>>, vector<1000x128xf32>
    tpu.vector_store %arg4[%swap3A, %swap3A_19], %dot_general3A_18 {strides = array<i32>} : memref<1000x128xf32, #tpu.memory_space<vmem>>, vector<1000x128xf32>,
    %mul3A = vector.broadcast %rsqrt3A : vector<1000x1xf32> to vector<1000x128xf32>
    %mul3A_21 = arith.mulf %dot_general3A_18, %mul3A : vector<1000x128xf32>
    %swap3A_22 = arith.constant 0 : index
    %swap3A_23 = arith.constant 0 : index
    %swap3A_24 = vector.load %arg5[%swap3A_22, %swap3A_23] : memref<1000x128xf32, #tpu.memory_space<vmem>>, vector<1000x128xf32>
    tpu.vector_store %arg5[%swap3A_22, %swap3A_23], %mul3A_21 {strides = array<i32>} : memref<1000x128xf32, #tpu.memory_space<vmem>>, vector<1000x128xf32>,
    return
  }
  func.func @transform_0(%arg0: i32) -> (i32, i32) {
    %c0_i32 = arith.constant 0 : i32
    %c0_i32_0 = arith.constant 0 : i32
    return %arg0, %c0_i32 : i32, i32
  }
  func.func @transform_1(%arg0: i32) -> (i32, i32) {
    %c0_i32 = arith.constant 0 : i32
    %c0_i32_0 = arith.constant 0 : i32
    %c0_i32_1 = arith.constant 0 : i32
    return %c0_i32, %c0_i32_0 : i32, i32
  }
  func.func @transform_2(%arg0: i32) -> (i32, i32, i32) {
    %c0_i32 = arith.constant 0 : i32
    %c0_i32_0 = arith.constant 0 : i32
    %c0_i32_1 = arith.constant 0 : i32
    return %c0_i32, %arg0, %c0_i32_0 : i32, i32, i32
  }
  func.func @transform_3(%arg0: i32) -> (i32, i32) {
    %c0_i32 = arith.constant 0 : i32
    %c0_i32_0 = arith.constant 0 : i32
    return %arg0, %c0_i32 : i32, i32
  }
  func.func @transform_4(%arg0: i32) -> (i32, i32) {
    %c0_i32 = arith.constant 0 : i32
    %c0_i32_0 = arith.constant 0 : i32
    return %arg0, %c0_i32 : i32, i32
  }
}

module attributes {stable_mosaic.version = 14 : i64} {
  func.func @body(%arg0: i32, %arg1: memref<2x1000x128xf32, #tpu.memory_space<vmem>>, %arg2: memref<1000x128xf32, #tpu.memory_space<vmem>>, %arg3: memref<2x1000x16xf32, #tpu.memory_space<vmem>>, %arg4: memref<1x128xf32, #tpu.memory_space<vmem>>, %arg5: memref<128x128xf32, #tpu.memory_space<vmem>>, %arg6: memref<1000x128xf32, #tpu.memory_space<vmem>>, %arg7: memref<1000x128xf32, #tpu.memory_space<vmem>>) attributes {dimension_semantics = [#tpu.dimension_semantics<arbitrary>], iteration_bounds = array<i64: 10>, scalar_prefetch = 0 : i64, scratch_operands = 0 : i64, tpu.core_type = #tpu.core_type<tc>, window_params = [{transform_indices = @transform_0, window_bounds = array<i64: 2, 1000, 128>}, {transform_indices = @transform_1, window_bounds = array<i64: 1000, 128>}, {transform_indices = @transform_2, window_bounds = array<i64: 2, 1000, 16>}, {pipeline_mode = #tpu.pipeline_mode<synchronous>, transform_indices = @transform_3, window_bounds = array<i64: 1, 128>}, {pipeline_mode = #tpu.pipeline_mode<synchronous>, transform_indices = @transform_4, window_bounds = array<i64: 128, 128>}, {transform_indices = @transform_5, window_bounds = array<i64: 1000, 128>}, {transform_indices = @transform_6, window_bounds = array<i64: 1000, 128>}]} {
    %get3A = arith.constant 0 : index
    %get3A_0 = arith.constant 0 : index
    %get3A_1 = arith.constant 0 : index
    %get3A_2 = vector.load %arg3[%get3A, %get3A_0, %get3A_1] : memref<2x1000x16xf32, #tpu.memory_space<vmem>>, vector<1x1000x1xf32>
    %get3A_3 = vector.shape_cast %get3A_2 : vector<1x1000x1xf32> to vector<1000x1xf32>
    %get3A_4 = arith.constant 1 : index
    %get3A_5 = arith.constant 0 : index
    %get3A_6 = arith.constant 0 : index
    %get3A_7 = vector.load %arg3[%get3A_4, %get3A_5, %get3A_6] : memref<2x1000x16xf32, #tpu.memory_space<vmem>>, vector<1x1000x1xf32>
    %get3A_8 = vector.shape_cast %get3A_7 : vector<1x1000x1xf32> to vector<1000x1xf32>
    %add3A = arith.addf %get3A_3, %get3A_8 : vector<1000x1xf32>
    %add3A_9 = arith.constant 1.000000e+00 : f32
    %add3A_10 = vector.broadcast %add3A_9 : f32 to vector<1000x1xf32>
    %add3A_11 = arith.addf %add3A, %add3A_10 : vector<1000x1xf32>
    %rsqrt3A = math.rsqrt %add3A_11 : vector<1000x1xf32>
    %div3A = arith.constant 1.000000e+00 : f32
    %div3A_12 = vector.broadcast %div3A : f32 to vector<1000x1xf32>
    %div3A_13 = arith.divf %div3A_12, %add3A_11 : vector<1000x1xf32>
    %get3A_14 = arith.constant 0 : index
    %get3A_15 = arith.constant 0 : index
    %get3A_16 = arith.constant 0 : index
    %get3A_17 = vector.load %arg1[%get3A_14, %get3A_15, %get3A_16] : memref<2x1000x128xf32, #tpu.memory_space<vmem>>, vector<1x1000x128xf32>
    %get3A_18 = vector.shape_cast %get3A_17 : vector<1x1000x128xf32> to vector<1000x128xf32>
    %get3A_19 = arith.constant 1 : index
    %get3A_20 = arith.constant 0 : index
    %get3A_21 = arith.constant 0 : index
    %get3A_22 = vector.load %arg1[%get3A_19, %get3A_20, %get3A_21] : memref<2x1000x128xf32, #tpu.memory_space<vmem>>, vector<1x1000x128xf32>
    %get3A_23 = vector.shape_cast %get3A_22 : vector<1x1000x128xf32> to vector<1000x128xf32>
    %add3A_24 = arith.addf %get3A_18, %get3A_23 : vector<1000x128xf32>
    %mul3A = vector.broadcast %rsqrt3A : vector<1000x1xf32> to vector<1000x128xf32>
    %mul3A_25 = arith.mulf %add3A_24, %mul3A : vector<1000x128xf32>
    %get3A_26 = arith.constant 0 : index
    %get3A_27 = arith.constant 0 : index
    %get3A_28 = vector.load %arg2[%get3A_26, %get3A_27] : memref<1000x128xf32, #tpu.memory_space<vmem>>, vector<1000x128xf32>
    %mul3A_29 = vector.broadcast %div3A_13 : vector<1000x1xf32> to vector<1000x128xf32>
    %mul3A_30 = arith.mulf %get3A_28, %mul3A_29 : vector<1000x128xf32>
    %add3A_31 = arith.addf %mul3A_25, %mul3A_30 : vector<1000x128xf32>
    %get3A_32 = arith.constant 0 : index
    %get3A_33 = arith.constant 0 : index
    %get3A_34 = vector.load %arg4[%get3A_32, %get3A_33] : memref<1x128xf32, #tpu.memory_space<vmem>>, vector<1x128xf32>
    %add3A_35 = vector.broadcast %get3A_34 : vector<1x128xf32> to vector<1000x128xf32>
    %add3A_36 = arith.addf %add3A_31, %add3A_35 : vector<1000x128xf32>
    %integer_pow3A = arith.mulf %add3A_36, %add3A_36 : vector<1000x128xf32>
    %integer_pow3A_37 = arith.mulf %add3A_36, %integer_pow3A : vector<1000x128xf32>
    %mul3A_38 = arith.constant 4.471500e-02 : f32
    %mul3A_39 = vector.broadcast %mul3A_38 : f32 to vector<1000x128xf32>
    %mul3A_40 = arith.mulf %mul3A_39, %integer_pow3A_37 : vector<1000x128xf32>
    %add3A_41 = arith.addf %add3A_36, %mul3A_40 : vector<1000x128xf32>
    %mul3A_42 = arith.constant 0.797884583 : f32
    %mul3A_43 = vector.broadcast %mul3A_42 : f32 to vector<1000x128xf32>
    %mul3A_44 = arith.mulf %mul3A_43, %add3A_41 : vector<1000x128xf32>
    %tanh3A = math.tanh %mul3A_44 : vector<1000x128xf32>
    %add3A_45 = arith.constant 1.000000e+00 : f32
    %add3A_46 = vector.broadcast %add3A_45 : f32 to vector<1000x128xf32>
    %add3A_47 = arith.addf %add3A_46, %tanh3A : vector<1000x128xf32>
    %mul3A_48 = arith.constant 5.000000e-01 : f32
    %mul3A_49 = vector.broadcast %mul3A_48 : f32 to vector<1000x128xf32>
    %mul3A_50 = arith.mulf %mul3A_49, %add3A_47 : vector<1000x128xf32>
    %mul3A_51 = arith.mulf %add3A_36, %mul3A_50 : vector<1000x128xf32>
    %get3A_52 = arith.constant 0 : index
    %get3A_53 = arith.constant 0 : index
    %get3A_54 = vector.load %arg5[%get3A_52, %get3A_53] : memref<128x128xf32, #tpu.memory_space<vmem>>, vector<128x128xf32>
    %dot_general3A = arith.constant dense<0.000000e+00> : vector<1000x128xf32>
    %dot_general3A_55 = tpu.matmul %mul3A_51, %get3A_54, %dot_general3A {dimension_numbers = #tpu.dot_dimension_numbers<[1], [0], [0], [1], [0, 0, 1, 1], [], []>, transpose_lhs_hint = false} : vector<1000x128xf32>, vector<128x128xf32>, vector<1000x128xf32> -> vector<1000x128xf32>
    %swap3A = arith.constant 0 : index
    %swap3A_56 = arith.constant 0 : index
    %swap3A_57 = vector.load %arg6[%swap3A, %swap3A_56] : memref<1000x128xf32, #tpu.memory_space<vmem>>, vector<1000x128xf32>
    tpu.vector_store %arg6[%swap3A, %swap3A_56], %dot_general3A_55 {strides = array<i32>} : memref<1000x128xf32, #tpu.memory_space<vmem>>, vector<1000x128xf32>,
    %mul3A_58 = vector.broadcast %rsqrt3A : vector<1000x1xf32> to vector<1000x128xf32>
    %mul3A_59 = arith.mulf %dot_general3A_55, %mul3A_58 : vector<1000x128xf32>
    %swap3A_60 = arith.constant 0 : index
    %swap3A_61 = arith.constant 0 : index
    %swap3A_62 = vector.load %arg7[%swap3A_60, %swap3A_61] : memref<1000x128xf32, #tpu.memory_space<vmem>>, vector<1000x128xf32>
    tpu.vector_store %arg7[%swap3A_60, %swap3A_61], %mul3A_59 {strides = array<i32>} : memref<1000x128xf32, #tpu.memory_space<vmem>>, vector<1000x128xf32>,
    return
  }
  func.func @transform_0(%arg0: i32) -> (i32, i32, i32) {
    %c0_i32 = arith.constant 0 : i32
    %c0_i32_0 = arith.constant 0 : i32
    %c0_i32_1 = arith.constant 0 : i32
    return %c0_i32, %arg0, %c0_i32_0 : i32, i32, i32
  }
  func.func @transform_1(%arg0: i32) -> (i32, i32) {
    %c0_i32 = arith.constant 0 : i32
    %c0_i32_0 = arith.constant 0 : i32
    return %arg0, %c0_i32 : i32, i32
  }
  func.func @transform_2(%arg0: i32) -> (i32, i32, i32) {
    %c0_i32 = arith.constant 0 : i32
    %c0_i32_0 = arith.constant 0 : i32
    %c0_i32_1 = arith.constant 0 : i32
    return %c0_i32, %arg0, %c0_i32_0 : i32, i32, i32
  }
  func.func @transform_3(%arg0: i32) -> (i32, i32) {
    %c0_i32 = arith.constant 0 : i32
    %c0_i32_0 = arith.constant 0 : i32
    %c0_i32_1 = arith.constant 0 : i32
    return %c0_i32, %c0_i32_0 : i32, i32
  }
  func.func @transform_4(%arg0: i32) -> (i32, i32) {
    %c0_i32 = arith.constant 0 : i32
    %c0_i32_0 = arith.constant 0 : i32
    %c0_i32_1 = arith.constant 0 : i32
    return %c0_i32, %c0_i32_0 : i32, i32
  }
  func.func @transform_5(%arg0: i32) -> (i32, i32) {
    %c0_i32 = arith.constant 0 : i32
    %c0_i32_0 = arith.constant 0 : i32
    return %arg0, %c0_i32 : i32, i32
  }
  func.func @transform_6(%arg0: i32) -> (i32, i32) {
    %c0_i32 = arith.constant 0 : i32
    %c0_i32_0 = arith.constant 0 : i32
    return %arg0, %c0_i32 : i32, i32
  }
}

module attributes {stable_mosaic.version = 14 : i64} {
  func.func @body(%arg0: i32, %arg1: memref<2x1000x128xf32, #tpu.memory_space<vmem>>, %arg2: memref<1000x128xf32, #tpu.memory_space<vmem>>, %arg3: memref<2x1000x16xf32, #tpu.memory_space<vmem>>, %arg4: memref<1x128xf32, #tpu.memory_space<vmem>>, %arg5: memref<1000x1xi32, #tpu.memory_space<vmem>>, %arg6: memref<128x10xf32, #tpu.memory_space<vmem>>, %arg7: memref<1x10xf32, #tpu.memory_space<vmem>>, %arg8: memref<64x10xf32, #tpu.memory_space<vmem>>, %arg9: memref<64x128xf32, #tpu.memory_space<vmem>>, %arg10: memref<64x128xf32, #tpu.memory_space<vmem>>) attributes {dimension_semantics = [#tpu.dimension_semantics<arbitrary>], iteration_bounds = array<i64: 10>, scalar_prefetch = 0 : i64, scratch_operands = 2 : i64, tpu.core_type = #tpu.core_type<tc>, window_params = [{transform_indices = @transform_0, window_bounds = array<i64: 2, 1000, 128>}, {transform_indices = @transform_1, window_bounds = array<i64: 1000, 128>}, {transform_indices = @transform_2, window_bounds = array<i64: 2, 1000, 16>}, {pipeline_mode = #tpu.pipeline_mode<synchronous>, transform_indices = @transform_3, window_bounds = array<i64: 1, 128>}, {transform_indices = @transform_4, window_bounds = array<i64: 1000, 1>}, {pipeline_mode = #tpu.pipeline_mode<synchronous>, transform_indices = @transform_5, window_bounds = array<i64: 128, 10>}, {pipeline_mode = #tpu.pipeline_mode<synchronous>, transform_indices = @transform_6, window_bounds = array<i64: 1, 10>}, {pipeline_mode = #tpu.pipeline_mode<synchronous>, transform_indices = @transform_7, window_bounds = array<i64: 64, 10>}]} {
    %eq3A = arith.constant 0 : i32
    %eq3A_0 = arith.cmpi eq, %arg0, %eq3A : i32
    %convert_element_type3A = arith.extui %eq3A_0 : i1 to i32
    %cond3A = arith.constant 0 : i32
    %cond3A_1 = arith.cmpi ne, %convert_element_type3A, %cond3A : i32
    scf.if %cond3A_1 {
      %broadcast_in_dim3A_83 = arith.constant 0.000000e+00 : f32
      %broadcast_in_dim3A_84 = vector.broadcast %broadcast_in_dim3A_83 : f32 to vector<64x128xf32>
      %swap3A_85 = arith.constant 0 : index
      %swap3A_86 = arith.constant 0 : index
      %swap3A_87 = vector.load %arg9[%swap3A_85, %swap3A_86] : memref<64x128xf32, #tpu.memory_space<vmem>>, vector<64x128xf32>
      tpu.vector_store %arg9[%swap3A_85, %swap3A_86], %broadcast_in_dim3A_84 {strides = array<i32>} : memref<64x128xf32, #tpu.memory_space<vmem>>, vector<64x128xf32>,
      %broadcast_in_dim3A_88 = arith.constant 0.000000e+00 : f32
      %broadcast_in_dim3A_89 = vector.broadcast %broadcast_in_dim3A_88 : f32 to vector<64x128xf32>
      %swap3A_90 = arith.constant 0 : index
      %swap3A_91 = arith.constant 0 : index
      %swap3A_92 = vector.load %arg10[%swap3A_90, %swap3A_91] : memref<64x128xf32, #tpu.memory_space<vmem>>, vector<64x128xf32>
      tpu.vector_store %arg10[%swap3A_90, %swap3A_91], %broadcast_in_dim3A_89 {strides = array<i32>} : memref<64x128xf32, #tpu.memory_space<vmem>>, vector<64x128xf32>,
    } else {
    }
    %get3A = arith.constant 0 : index
    %get3A_2 = arith.constant 0 : index
    %get3A_3 = arith.constant 0 : index
    %get3A_4 = vector.load %arg3[%get3A, %get3A_2, %get3A_3] : memref<2x1000x16xf32, #tpu.memory_space<vmem>>, vector<1x1000x1xf32>
    %get3A_5 = vector.shape_cast %get3A_4 : vector<1x1000x1xf32> to vector<1000x1xf32>
    %get3A_6 = arith.constant 1 : index
    %get3A_7 = arith.constant 0 : index
    %get3A_8 = arith.constant 0 : index
    %get3A_9 = vector.load %arg3[%get3A_6, %get3A_7, %get3A_8] : memref<2x1000x16xf32, #tpu.memory_space<vmem>>, vector<1x1000x1xf32>
    %get3A_10 = vector.shape_cast %get3A_9 : vector<1x1000x1xf32> to vector<1000x1xf32>
    %add3A = arith.addf %get3A_5, %get3A_10 : vector<1000x1xf32>
    %add3A_11 = arith.constant 1.000000e+00 : f32
    %add3A_12 = vector.broadcast %add3A_11 : f32 to vector<1000x1xf32>
    %add3A_13 = arith.addf %add3A, %add3A_12 : vector<1000x1xf32>
    %rsqrt3A = math.rsqrt %add3A_13 : vector<1000x1xf32>
    %div3A = arith.constant 1.000000e+00 : f32
    %div3A_14 = vector.broadcast %div3A : f32 to vector<1000x1xf32>
    %div3A_15 = arith.divf %div3A_14, %add3A_13 : vector<1000x1xf32>
    %get3A_16 = arith.constant 0 : index
    %get3A_17 = arith.constant 0 : index
    %get3A_18 = arith.constant 0 : index
    %get3A_19 = vector.load %arg1[%get3A_16, %get3A_17, %get3A_18] : memref<2x1000x128xf32, #tpu.memory_space<vmem>>, vector<1x1000x128xf32>
    %get3A_20 = vector.shape_cast %get3A_19 : vector<1x1000x128xf32> to vector<1000x128xf32>
    %get3A_21 = arith.constant 1 : index
    %get3A_22 = arith.constant 0 : index
    %get3A_23 = arith.constant 0 : index
    %get3A_24 = vector.load %arg1[%get3A_21, %get3A_22, %get3A_23] : memref<2x1000x128xf32, #tpu.memory_space<vmem>>, vector<1x1000x128xf32>
    %get3A_25 = vector.shape_cast %get3A_24 : vector<1x1000x128xf32> to vector<1000x128xf32>
    %add3A_26 = arith.addf %get3A_20, %get3A_25 : vector<1000x128xf32>
    %mul3A = vector.broadcast %rsqrt3A : vector<1000x1xf32> to vector<1000x128xf32>
    %mul3A_27 = arith.mulf %add3A_26, %mul3A : vector<1000x128xf32>
    %get3A_28 = arith.constant 0 : index
    %get3A_29 = arith.constant 0 : index
    %get3A_30 = vector.load %arg2[%get3A_28, %get3A_29] : memref<1000x128xf32, #tpu.memory_space<vmem>>, vector<1000x128xf32>
    %mul3A_31 = vector.broadcast %div3A_15 : vector<1000x1xf32> to vector<1000x128xf32>
    %mul3A_32 = arith.mulf %get3A_30, %mul3A_31 : vector<1000x128xf32>
    %add3A_33 = arith.addf %mul3A_27, %mul3A_32 : vector<1000x128xf32>
    %get3A_34 = arith.constant 0 : index
    %get3A_35 = arith.constant 0 : index
    %get3A_36 = vector.load %arg4[%get3A_34, %get3A_35] : memref<1x128xf32, #tpu.memory_space<vmem>>, vector<1x128xf32>
    %add3A_37 = vector.broadcast %get3A_36 : vector<1x128xf32> to vector<1000x128xf32>
    %add3A_38 = arith.addf %add3A_33, %add3A_37 : vector<1000x128xf32>
    %integer_pow3A = arith.mulf %add3A_38, %add3A_38 : vector<1000x128xf32>
    %integer_pow3A_39 = arith.mulf %add3A_38, %integer_pow3A : vector<1000x128xf32>
    %mul3A_40 = arith.constant 4.471500e-02 : f32
    %mul3A_41 = vector.broadcast %mul3A_40 : f32 to vector<1000x128xf32>
    %mul3A_42 = arith.mulf %mul3A_41, %integer_pow3A_39 : vector<1000x128xf32>
    %add3A_43 = arith.addf %add3A_38, %mul3A_42 : vector<1000x128xf32>
    %mul3A_44 = arith.constant 0.797884583 : f32
    %mul3A_45 = vector.broadcast %mul3A_44 : f32 to vector<1000x128xf32>
    %mul3A_46 = arith.mulf %mul3A_45, %add3A_43 : vector<1000x128xf32>
    %tanh3A = math.tanh %mul3A_46 : vector<1000x128xf32>
    %add3A_47 = arith.constant 1.000000e+00 : f32
    %add3A_48 = vector.broadcast %add3A_47 : f32 to vector<1000x128xf32>
    %add3A_49 = arith.addf %add3A_48, %tanh3A : vector<1000x128xf32>
    %mul3A_50 = arith.constant 5.000000e-01 : f32
    %mul3A_51 = vector.broadcast %mul3A_50 : f32 to vector<1000x128xf32>
    %mul3A_52 = arith.mulf %mul3A_51, %add3A_49 : vector<1000x128xf32>
    %mul3A_53 = arith.mulf %add3A_38, %mul3A_52 : vector<1000x128xf32>
    %get3A_54 = arith.constant 0 : index
    %get3A_55 = arith.constant 0 : index
    %get3A_56 = vector.load %arg5[%get3A_54, %get3A_55] : memref<1000x1xi32, #tpu.memory_space<vmem>>, vector<1000x1xi32>
    %iota3A = tpu.iota {dimensions = array<i32: 1>} : vector<1000x64xi32>
    %eq3A_57 = vector.broadcast %get3A_56 : vector<1000x1xi32> to vector<1000x64xi32>
    %eq3A_58 = arith.cmpi eq, %eq3A_57, %iota3A : vector<1000x64xi32>
    %convert_element_type3A_59 = arith.extui %eq3A_58 : vector<1000x64xi1> to vector<1000x64xi32>
    %convert_element_type3A_60 = arith.sitofp %convert_element_type3A_59 : vector<1000x64xi32> to vector<1000x64xf32>
    %get3A_61 = arith.constant 0 : index
    %get3A_62 = arith.constant 0 : index
    %get3A_63 = vector.load %arg9[%get3A_61, %get3A_62] : memref<64x128xf32, #tpu.memory_space<vmem>>, vector<64x128xf32>
    %dot_general3A = arith.constant dense<0.000000e+00> : vector<64x128xf32>
    %dot_general3A_64 = tpu.matmul %convert_element_type3A_60, %mul3A_53, %dot_general3A {dimension_numbers = #tpu.dot_dimension_numbers<[0], [0], [1], [1], [0, 1, 1, 1], [], []>, transpose_lhs_hint = false} : vector<1000x64xf32>, vector<1000x128xf32>, vector<64x128xf32> -> vector<64x128xf32>
    %add3A_65 = arith.addf %get3A_63, %dot_general3A_64 : vector<64x128xf32>
    %swap3A = arith.constant 0 : index
    %swap3A_66 = arith.constant 0 : index
    %swap3A_67 = vector.load %arg9[%swap3A, %swap3A_66] : memref<64x128xf32, #tpu.memory_space<vmem>>, vector<64x128xf32>
    tpu.vector_store %arg9[%swap3A, %swap3A_66], %add3A_65 {strides = array<i32>} : memref<64x128xf32, #tpu.memory_space<vmem>>, vector<64x128xf32>,
    %get3A_68 = arith.constant 0 : index
    %get3A_69 = arith.constant 0 : index
    %get3A_70 = vector.load %arg10[%get3A_68, %get3A_69] : memref<64x128xf32, #tpu.memory_space<vmem>>, vector<64x128xf32>
    %broadcast_in_dim3A = arith.constant 1.000000e+00 : f32
    %broadcast_in_dim3A_71 = vector.broadcast %broadcast_in_dim3A : f32 to vector<1000x128xf32>
    %dot_general3A_72 = arith.constant dense<0.000000e+00> : vector<64x128xf32>
    %dot_general3A_73 = tpu.matmul %convert_element_type3A_60, %broadcast_in_dim3A_71, %dot_general3A_72 {dimension_numbers = #tpu.dot_dimension_numbers<[0], [0], [1], [1], [0, 1, 1, 1], [], []>, transpose_lhs_hint = false} : vector<1000x64xf32>, vector<1000x128xf32>, vector<64x128xf32> -> vector<64x128xf32>
    %add3A_74 = arith.addf %get3A_70, %dot_general3A_73 : vector<64x128xf32>
    %swap3A_75 = arith.constant 0 : index
    %swap3A_76 = arith.constant 0 : index
    %swap3A_77 = vector.load %arg10[%swap3A_75, %swap3A_76] : memref<64x128xf32, #tpu.memory_space<vmem>>, vector<64x128xf32>
    tpu.vector_store %arg10[%swap3A_75, %swap3A_76], %add3A_74 {strides = array<i32>} : memref<64x128xf32, #tpu.memory_space<vmem>>, vector<64x128xf32>,
    %eq3A_78 = arith.constant 9 : i32
    %eq3A_79 = arith.cmpi eq, %arg0, %eq3A_78 : i32
    %convert_element_type3A_80 = arith.extui %eq3A_79 : i1 to i32
    %cond3A_81 = arith.constant 0 : i32
    %cond3A_82 = arith.cmpi ne, %convert_element_type3A_80, %cond3A_81 : i32
    scf.if %cond3A_82 {
      %get3A_83 = arith.constant 0 : index
      %get3A_84 = arith.constant 0 : index
      %get3A_85 = vector.load %arg9[%get3A_83, %get3A_84] : memref<64x128xf32, #tpu.memory_space<vmem>>, vector<64x128xf32>
      %get3A_86 = arith.constant 0 : index
      %get3A_87 = arith.constant 0 : index
      %get3A_88 = vector.load %arg10[%get3A_86, %get3A_87] : memref<64x128xf32, #tpu.memory_space<vmem>>, vector<64x128xf32>
      %max3A = arith.constant 1.000000e+00 : f32
      %max3A_89 = vector.broadcast %max3A : f32 to vector<64x128xf32>
      %max3A_90 = arith.maximumf %get3A_88, %max3A_89 : vector<64x128xf32>
      %div3A_91 = arith.divf %get3A_85, %max3A_90 : vector<64x128xf32>
      %get3A_92 = arith.constant 0 : index
      %get3A_93 = arith.constant 0 : index
      %get3A_94 = vector.load %arg6[%get3A_92, %get3A_93] : memref<128x10xf32, #tpu.memory_space<vmem>>, vector<128x10xf32>
      %dot_general3A_95 = arith.constant dense<0.000000e+00> : vector<64x10xf32>
      %dot_general3A_96 = tpu.matmul %div3A_91, %get3A_94, %dot_general3A_95 {dimension_numbers = #tpu.dot_dimension_numbers<[1], [0], [0], [1], [0, 0, 1, 1], [], []>, transpose_lhs_hint = false} : vector<64x128xf32>, vector<128x10xf32>, vector<64x10xf32> -> vector<64x10xf32>
      %get3A_97 = arith.constant 0 : index
      %get3A_98 = arith.constant 0 : index
      %get3A_99 = vector.load %arg7[%get3A_97, %get3A_98] : memref<1x10xf32, #tpu.memory_space<vmem>>, vector<1x10xf32>
      %add3A_100 = vector.broadcast %get3A_99 : vector<1x10xf32> to vector<64x10xf32>
      %add3A_101 = arith.addf %dot_general3A_96, %add3A_100 : vector<64x10xf32>
      %swap3A_102 = arith.constant 0 : index
      %swap3A_103 = arith.constant 0 : index
      %swap3A_104 = vector.load %arg8[%swap3A_102, %swap3A_103] : memref<64x10xf32, #tpu.memory_space<vmem>>, vector<64x10xf32>
      tpu.vector_store %arg8[%swap3A_102, %swap3A_103], %add3A_101 {strides = array<i32>} : memref<64x10xf32, #tpu.memory_space<vmem>>, vector<64x10xf32>,
    } else {
    }
    return
  }
  func.func @transform_0(%arg0: i32) -> (i32, i32, i32) {
    %c0_i32 = arith.constant 0 : i32
    %c0_i32_0 = arith.constant 0 : i32
    %c0_i32_1 = arith.constant 0 : i32
    return %c0_i32, %arg0, %c0_i32_0 : i32, i32, i32
  }
  func.func @transform_1(%arg0: i32) -> (i32, i32) {
    %c0_i32 = arith.constant 0 : i32
    %c0_i32_0 = arith.constant 0 : i32
    return %arg0, %c0_i32 : i32, i32
  }
  func.func @transform_2(%arg0: i32) -> (i32, i32, i32) {
    %c0_i32 = arith.constant 0 : i32
    %c0_i32_0 = arith.constant 0 : i32
    %c0_i32_1 = arith.constant 0 : i32
    return %c0_i32, %arg0, %c0_i32_0 : i32, i32, i32
  }
  func.func @transform_3(%arg0: i32) -> (i32, i32) {
    %c0_i32 = arith.constant 0 : i32
    %c0_i32_0 = arith.constant 0 : i32
    %c0_i32_1 = arith.constant 0 : i32
    return %c0_i32, %c0_i32_0 : i32, i32
  }
  func.func @transform_4(%arg0: i32) -> (i32, i32) {
    %c0_i32 = arith.constant 0 : i32
    %c0_i32_0 = arith.constant 0 : i32
    return %arg0, %c0_i32 : i32, i32
  }
  func.func @transform_5(%arg0: i32) -> (i32, i32) {
    %c0_i32 = arith.constant 0 : i32
    %c0_i32_0 = arith.constant 0 : i32
    %c0_i32_1 = arith.constant 0 : i32
    return %c0_i32, %c0_i32_0 : i32, i32
  }
  func.func @transform_6(%arg0: i32) -> (i32, i32) {
    %c0_i32 = arith.constant 0 : i32
    %c0_i32_0 = arith.constant 0 : i32
    %c0_i32_1 = arith.constant 0 : i32
    return %c0_i32, %c0_i32_0 : i32, i32
  }
  func.func @transform_7(%arg0: i32) -> (i32, i32) {
    %c0_i32 = arith.constant 0 : i32
    %c0_i32_0 = arith.constant 0 : i32
    %c0_i32_1 = arith.constant 0 : i32
    return %c0_i32, %c0_i32_0 : i32, i32
  }
}

</mosaic_0001>

<sc_bundles>
// kernel: kernel.11.cloned.1.call-start
scs
__scs_entry_jumppad:
0x0: {  	(pc) =	sbr.rel $0x88, $3  }
0x1: {  	(tag) =	ssettag $0x0;
	lr =	simm.s32 $0x1  }
0x2: {  	[smem:$0x3F98] =	sst lr;
	_ =	strace $0xD0000000  }
0x3: {  	_ = 	snop  }
0x4: {  	_ = 	snop  }
0x5: {  	_ = 	snop  }
0x6: {  	_ = 	snop  }
0x7: {  	_ = 	snop  }
__scs_overlays_trampoline_lowered:
0x8: {  	[smem:$0x3FA7] =	sst s0  }
0x9: {  	[smem:$0x3FA8] =	sst s1  }
0xa: {  	[smem:$0x3FA9] =	sst s2  }
0xb: {  	[smem:$0x3FAA] =	sst s3  }
0xc: {  	[smem:$0x3FAB] =	sst s4  }
0xd: {  	[smem:$0x3FAC] =	sst s5  }
0xe: {  	[smem:$0x3FAD] =	sst s6  }
0xf: {  	[smem:$0x3FAE] =	sst s7  }
0x10: {  	[smem:$0x3FAF] =	sst s8  }
0x11: {  	[smem:$0x3FB0] =	sst s9;
	s0 =	simm.s32 @!p0 $0x0  }
0x12: {  	s1 =	sld [smem:$0x3F96];
	s0 =	simm.s32 @p0 $0x1  }
0x13: {  	[smem:$0x3FB1] =	sst s0;
	s0 =	simm.s32 @!p1 $0x0  }
0x14: {  	s2 =	sld [smem:$0x3F95];
	s0 =	simm.s32 @p1 $0x1  }
0x15: {  	[smem:$0x3FB2] =	sst s0;
	s0 =	simm.s32 @!p2 $0x0  }
0x16: {  	s3 =	sld [smem:$0x3FDB];
	s0 =	simm.s32 @p2 $0x1  }
0x17: {  	s4 =	simm.s32 $0x1BF5;
	[smem:$0x3FB4] =	sst s0  }
0x18: {  	s0 =	sld [smem:$0x3F97];
	_ =	swait.ge [sflag:s4], $0x0  }
0x19: {  	s7 =	sld [smem:$0x3F98]  }
0x1a: {  	s8 =	sadd.s32 $0xFFFFE003, lr  }
0x1b: {  	s9 =	sadd.s32 $0xFFFFFEF7, lr;
	s5 =	simm.s32 $0xFFFFFFFF;
	p2 =	slt.u32 s8, $0xFFFFF086  }
0x1c: {  	p1 =	slt.u32 s9, $0xF7A;
	s5 =	simm.s32 @!p2 $0x0  }
0x1d: {  	s5 =	simm.s32 @p1 $0x1;
	p0 =	seq.s32 s7, s2  }
0x1e: {  	s7 =	smul.u32 @!p0 $0xF7A, s2;
	p2 =	seq.s32 @!p0 s5, $0x0  }
0x1f: {  	s9 =	smul.u32 $0xF7A, s1;
	s8 =	simm.s32 @!p0 $0x1BF5;
	p2 =	por !p2, p0  }
0x20: {  	[sflag:s8] =	ssyncset.s32 @!p0 $0xFFFFF086;
	s6 =	sadd.s32 @!p0 s3, s7;
	s7 =	simm.s32 @!p0 $0x108  }
0x21: {  	s3 =	sadd.s32 s3, s9;
	s6 =	sadd.s32 @!p0 $0x88, s6;
	s7 =	simm.s32 @p2 $0x1082  }
0x22: {  	[simem:s7], [sflag:s8] =	dma.local @!p0 [hbm:s6], $0xF7A  }
0x23: {  	s9 =	sor.u32 $0xD0000000, s2;
	s6 =	simm.s32 $0x108;
	_ =	swait.ge @!p0 [sflag:s8], $0x0  }
0x24: {  	s3 =	sadd.s32 $0x88, s3;
	s6 =	simm.s32 @!p1 $0x1082;
	[sflag:s4] =	ssyncset.s32 $0xFFFFF086  }
0x25: {  	[simem:s6], [sflag:s4] =	dma.local [hbm:s3], $0xF7A  }
0x26: {  	[smem:$0x3F98] =	sst s1;
	(tag) =	ssettag s2;
	_ =	strace s9  }
0x27: {  	s1 =	sld [smem:$0x3FA8]  }
0x28: {  	s2 =	sld [smem:$0x3FA9]  }
0x29: {  	s4 =	sld [smem:$0x3FAB]  }
0x2a: {  	p0 =	seq.s32 s5, $0x0;
	s5 =	sld [smem:$0x3FAC]  }
0x2b: {  	s6 =	sld [smem:$0x3FAD]  }
0x2c: {  	s7 =	sld [smem:$0x3FAE]  }
0x2d: {  	s3 =	simm.s32 $0x108;
	s8 =	sld [smem:$0x3FAF]  }
0x2e: {  	s3 =	simm.s32 @!p0 $0x1082;
	s9 =	sld [smem:$0x3FB0]  }
0x2f: {  	lr =	sadd.s32 s0, s3;
	s0 =	sld [smem:$0x3FA7]  }
0x30: {  	s3 =	sld [smem:$0x3FAA]  }
0x31: {  	[smem:$0x3FB3] =	sst s10  }
0x32: {  	s10 =	sld [smem:$0x3FB1];
	_ =	sdelay $0x3  }
0x33: {  	p0 =	seq.s32 s10, $0x1;
	s10 =	sld [smem:$0x3FB3];
	_ =	sdelay $0x3  }
0x34: {  	[smem:$0x3FB3] =	sst s10  }
0x35: {  	s10 =	sld [smem:$0x3FB2];
	_ =	sdelay $0x3  }
0x36: {  	p1 =	seq.s32 s10, $0x1;
	s10 =	sld [smem:$0x3FB3];
	_ =	sdelay $0x3  }
0x37: {  	[smem:$0x3FB3] =	sst s10  }
0x38: {  	s10 =	sld [smem:$0x3FB4]  }
0x39: {  	_ = 	snop;
	(pc) =	sbr.ind lr, $3  }
0x3a: {  	_ = 	snop  }
0x3b: {  	_ = 	snop  }
0x3c: {  	p2 =	seq.s32 s10, $0x1;
	s10 =	sld [smem:$0x3FB3]  }
0x3d: {  	_ =	shalt  }
0x3e: {  	_ =	shalt  }
0x3f: {  	_ =	shalt  }
0x40: {  	_ =	shalt  }
0x41: {  	_ =	shalt  }
0x42: {  	_ =	shalt  }
0x43: {  	_ =	shalt  }
0x44: {  	_ =	shalt  }
0x45: {  	_ =	shalt  }
0x46: {  	_ =	shalt  }
0x47: {  	_ =	shalt  }
0x48: {  	_ =	shalt  }
0x49: {  	_ =	shalt  }
0x4a: {  	_ =	shalt  }
0x4b: {  	_ =	shalt  }
0x4c: {  	_ =	shalt  }
0x4d: {  	_ =	shalt  }
0x4e: {  	_ =	shalt  }
0x4f: {  	_ =	shalt  }
0x50: {  	_ =	shalt  }
0x51: {  	_ =	shalt  }
0x52: {  	_ =	shalt  }
0x53: {  	_ =	shalt  }
0x54: {  	_ =	shalt  }
0x55: {  	_ =	shalt  }
0x56: {  	_ =	shalt  }
0x57: {  	_ =	shalt  }
0x58: {  	_ =	shalt  }
0x59: {  	_ =	shalt  }
0x5a: {  	_ =	shalt  }
0x5b: {  	_ =	shalt  }
0x5c: {  	_ =	shalt  }
0x5d: {  	_ =	shalt  }
0x5e: {  	_ =	shalt  }
0x5f: {  	_ =	shalt  }
0x60: {  	_ =	shalt  }
0x61: {  	_ =	shalt  }
0x62: {  	_ =	shalt  }
0x63: {  	_ =	shalt  }
0x64: {  	_ =	shalt  }
0x65: {  	_ =	shalt  }
0x66: {  	_ =	shalt  }
0x67: {  	_ =	shalt  }
0x68: {  	_ =	shalt  }
0x69: {  	_ =	shalt  }
0x6a: {  	_ =	shalt  }
0x6b: {  	_ =	shalt  }
0x6c: {  	_ =	shalt  }
0x6d: {  	_ =	shalt  }
0x6e: {  	_ =	shalt  }
0x6f: {  	_ =	shalt  }
0x70: {  	_ =	shalt  }
0x71: {  	_ =	shalt  }
0x72: {  	_ =	shalt  }
0x73: {  	_ =	shalt  }
0x74: {  	_ =	shalt  }
0x75: {  	_ =	shalt  }
0x76: {  	_ =	shalt  }
0x77: {  	_ =	shalt  }
0x78: {  	_ =	shalt  }
0x79: {  	_ =	shalt  }
0x7a: {  	_ =	shalt  }
0x7b: {  	_ =	shalt  }
0x7c: {  	_ =	shalt  }
0x7d: {  	_ =	shalt  }
0x7e: {  	_ =	shalt  }
0x7f: {  	_ =	shalt  }
0x80: {  	_ =	shalt  }
0x81: {  	_ =	shalt  }
0x82: {  	_ =	shalt  }
0x83: {  	_ =	shalt  }
0x84: {  	_ =	shalt  }
0x85: {  	_ =	shalt  }
0x86: {  	_ =	shalt  }
0x87: {  	_ =	shalt  }
.Lfunc_end0:
.L_simem_size_0:
called_computation.1_lowered:
.L_overlay_start_0:
0x88: {  	s2 =	sld [smem:$0x3FD9]  }
0x89: {  	s3 =	sld [smem:$0x3FFE];
	_ =	sdelay $0x1  }
0x8a: {  	s1 =	srdreg.scid  }
0x8b: {  	s0 =	sand.u32 $0x1, s1  }
0x8c: {  	s16 =	sshll.u32 s0, $0xA;
	s2 =	sadd.s32 s3, s2  }
0x8d: {  	s2 =	sadd.s32 s2, s16  }
0x8e: {  	[smem:$0x3FBF] =	sst s2  }
0x8f: {  	_ = 	snop  }
0x90: {  	(tm) =	ssettm $0x1  }
0x91: {  	s17 =	sld [smem:$0x3FFB];
	_ =	sdelay $0x3  }
0x92: {  	_ =	strace s17  }
0x93: {  	s2 =	sld [smem:$0x3FFC];
	_ =	sdelay $0x3  }
0x94: {  	_ =	strace s2  }
0x95: {  	s2 =	sld [smem:$0x3FFD];
	_ =	sdelay $0x3  }
0x96: {  	_ =	strace s2  }
0x97: {  	_ =	strace $0x8FFFFFFF  }
0x98: {  	s18 =	sld [smem:$0x3FDB];
	_ =	sdelay $0x1  }
0x99: {  	s19 =	simm.s32 $_scs_section_size  }
0x9a: {  	s4 =	simm.s32 $_size__tile_overlayer_lowered;
	s5 =	simm.s32 $_tile_overlayer_lowered  }
0x9b: {  	s22 =	simm.s32 $0x1BFF;
	s21 =	sshll.u32 s5, $0x1;
	s2 =	sadd.s32 s19, s18  }
0x9c: {  	s6 =	simm.s32 $0x0;
	s20 =	sshll.u32 s4, $0x1;
	s4 =	sadd.s32 s21, s2  }
0x9d: {  	[timem:s6], [sflag:s22] =	dma.local [hbm:s4], s20  }
0x9e: {  	_ =	swait.ge [sflag:s22], s20  }
0x9f: {  	s3 =	ssub.s32 $0x0, s20;
	[sflag:s22] =	ssyncset.done $0x0  }
0xa0: {  	[sflag:s22] =	ssyncadd.s32 s3;
	_ =	sdelay $0x1  }
0xa1: {  	s23 =	simm.s32 $0x1B8B  }
0xa2: {  	_ =	swait.ge [sflag:s23], $0x1  }
0xa3: {  	[sflag:s23] =	ssyncset.done $0x0  }
0xa4: {  	s25 =	simm.s32 $0x1B8E;
	s24 =	sld [smem:$0x3FFE];
	[sflag:s23] =	ssyncadd.s32 $0xFFFFFFFF  }
0xa5: {  	s26 =	simm.s32 $execute0_lowered;
	[smem:$0x3FD2] =	sst s25  }
0xa6: {  	s4 =	sshll.u32 s26, $0x1;
	_ =	strace $0x80000049;
	[dreg:$0x1] =	wrdreg $0xFFFFFFFF  }
0xa7: {  	s28 =	simm.s32 $_size_execute0_lowered;
	s2 =	sadd.s32 s2, s4;
	[dreg:$0x0] =	wrdreg $0x0  }
0xa8: {  	s4 =	sshll.u32 s28, $0x1;
	[dreg:$0x2] =	wrdreg s2  }
0xa9: {  	[dreg:$0x3] =	wrdreg s4  }
0xaa: {  	[dreg:$0x4] =	wrdreg $0xC0  }
0xab: {  	_ =	task [dreg:s6], $0x5FFFF  }
0xac: {  	[dreg:$0x1] =	wrdreg $0xFFFFFFFF  }
0xad: {  	[dreg:$0x0] =	wrdreg $0x60  }
0xae: {  	[dreg:$0x2] =	wrdreg s24  }
0xaf: {  	[dreg:$0x3] =	wrdreg $0x0  }
0xb0: {  	[dreg:$0x4] =	wrdreg $0x9  }
0xb1: {  	_ =	task.clear_ibuf [dreg:s6], $0x5FFFF;
	_ =	strace $0x90000049  }
0xb2: {  	s29 =	simm.s32 $0x9;
	_ =	strace $0x8000004B  }
0xb3: {  	_ =	swait.ge [sflag:s29], $0x1  }
0xb4: {  	[sflag:s29] =	ssyncadd.s32 $0xFFFFFFFF  }
0xb5: {  	_ =	strace $0x9000004B  }
0xb6: {  	_ =	sfence  }
0xb7: {  	s30 =	sld [smem:$0x0];
	_ =	sdelay $0x2  }
0xb8: {  	s31 =	sshll.u32 s1, $0xD;
	s1 =	sshrl.u32 s1, $0x2  }
0xb9: {  	s3 =	sand.u32 $0x4000, s31;
	s1 =	sadd.s32 s1, s30  }
0xba: {  	s0 =	sor.u32 s3, s0;
	s1 =	sshll.u32 s1, $0x11  }
0xbb: {  	s0 =	sor.u32 s1, s0  }
0xbc: {  	s0 =	sadd.s32 $0x8F2B, s0  }
0xbd: {  	[sflag:s0] =	ssyncadd.remote.s32 $0x1  }
0xbe: {  	_ =	sfence.sel $0xFFFF  }
0xbf: {  	[dreg:$0x0] =	wrdreg $0xFFFFFFFF;
	(pc) =	sbr.abs _section_cstart, $3  }
0xc0: {  	[dreg:$0x1] =	wrdreg $0xFFFFFFFF  }
0xc1: {  	_ =	task.clear_ibuf [dreg:s6], $0x2FFFF;
	_ =	strace $0x9FFFFFFF  }
0xc2: {  	(tm) =	ssettm $0x7FFFFFFF  }
0xc3: {  	_ =	shalt  }
tec
execute0_lowered:
.L_overlay_start_1:
0x0: {  	(tag) =	ssettag $0x1  }
0x1: {  	s5 =	rddreg [dreg:$0x0]  }
0x2: {  	s2 =	rddreg [dreg:$0x1];
	s3 =	simm.s32 $0x0  }
0x3: {  	s1 =	stileid.u32;
	s4 =	srdreg.scid;
	s18 =	simm.s32 $0x13D00  }
0x4: {  	s19 =	simm.s32 $0x50;
	s20 =	simm.s32 $0x13E00;
	s21 =	simm.s32 $0x13C80  }
0x5: {  	s22 =	simm.s32 $0x13D80;
	[smem:$0x7FF] =	sst s3;
	s6 =	smul.u32 $0x13C00, s1  }
0x6: {  	s7 =	sand.u32 $0x1, s4;
	s4 =	sadd.s32 $0x16000, s5;
	s10 =	smul.u32 $0x4F000, s1  }
0x7: {  	s14 =	sadd.s32 $0x2400, s5;
	s13 =	sadd.s32 $0xC200, s5;
	s11 =	smul.u32 $0x2710, s1  }
0x8: {  	s29 =	sshll.u32 s1, $0x6;
	_ =	strace $0x8000004A;
	s8 =	smul.u32 $0x13C000, s7  }
0x9: {  	s23 =	smul.u32 $0x27100, s7;
	s7 =	ssub.s32 $0x2, s7;
	s9 =	sshrl.u32 s6, $0x3  }
0xa: {  	s24 =	sshrl.u32 s7, $0x1;
	s25 =	sshrl.u32 s10, $0x2;
	s9 =	sadd.s32 s9, s5  }
0xb: {  	s6 =	sadd.s32 s6, s8;
	s26 =	ssub.s32 s7, s24;
	s15 =	sadd.s32 s25, s2  }
0xc: {  	s28 =	sadd.s32 s11, s23;
	s23 =	simm.s32 $0x16600;
	s24 =	simm.s32 $0x1  }
0xd: {  	s25 =	simm.s32 $0x2;
	s6 =	sshrl.u32 s6, $0x3;
	s16 =	sshrl.u32 s28, $0x3  }
0xe: {  	s31 =	sadd.s32 $0x50, s28;
	s10 =	smax.u32 s26, $0x1;
	s15 =	sshrl.u32 s15, $0x3  }
0xf: {  	s26 =	simm.s32 $0x0;
	s12 =	sadd.s32 s6, s5;
	s5 =	sadd.s32 $0x8CE00, s9  }
0x10: {  	s6 =	sor.u32 $0x1C03, s29;
	s30 =	sadd.s32 $0x4D8, s16;
	s17 =	sshrl.u32 s31, $0x3  }
0x11: {  	s7 =	sadd.s32 s14, s30;
	s8 =	sadd.s32 s13, s30;
	s9 =	sadd.s32 $0xB4600, s12  }
0x12: {  	s11 =	sadd.s32 s17, s13;
	s12 =	sadd.s32 s17, s14;
	s13 =	sadd.s32 s16, s13  }
0x13: {  	s14 =	sadd.s32 s16, s14;
	s16 =	simm.s32 $0x3;
	s17 =	simm.s32 $0x13C00  }
.LBB2_1:
0x14: {  	[spmem:s15], [sflag:s6] =	dma.local [hbm:s5], $0x2780  }
0x15: {  	_ =	swait.ge [sflag:s16], $0x2780  }
0x16: {  	[sflag:s16] =	ssyncset.done $0x0  }
0x17: {  	[sflag:s16] =	ssyncadd.s32 $0xFFFFD880  }
0x18: {  	s28 =	sadd.s32 $0x0, s14;
	[bflag:$0x0] =	sbarrier.arrive $0xFFFF  }
0x19: {  	[tilespmem:s17], [sflag:$0x3] =	stream.linear.gather [hbm4b:s28+s3], $0x50, $0x38;
	[tilespmem:$0x18E00] =	vst v63  }
0x1a: {  	_ =	swait.ge [sflag:s16], $0x50  }
0x1b: {  	[sflag:s16] =	ssyncset.done $0x0  }
0x1c: {  	s28 =	sadd.s32 $0x0, s13;
	[sflag:s16] =	ssyncadd.s32 $0xFFFFFFB0  }
0x1d: {  	[tilespmem:s18], [sflag:$0x3] =	stream.linear.gather [hbm4b:s28+s3], $0x50, $0x38;
	[tilespmem:$0x18E00] =	vst v63  }
0x1e: {  	_ =	swait.ge [sflag:s16], $0x50  }
0x1f: {  	[sflag:s16] =	ssyncset.done $0x0  }
0x20: {  	[sflag:s16] =	ssyncadd.s32 $0xFFFFFFB0  }
0x21: {  	[tilespmem:s20], [sflag:$0x1] =	stream.indirect.gather [hbm4b:s4+s19], $0x80, s17, s19, $0xb8;
	[tilespmem:$0x18E00] =	vst v63  }
0x22: {  	s28 =	sadd.s32 $0x0, s12  }
0x23: {  	[tilespmem:s21], [sflag:$0x3] =	stream.linear.gather [hbm4b:s28+s3], $0x50, $0x38;
	[tilespmem:$0x18E00] =	vst v63  }
0x24: {  	_ =	swait.ge [sflag:s16], $0x50  }
0x25: {  	[sflag:s16] =	ssyncset.done $0x0  }
0x26: {  	s28 =	sadd.s32 $0x0, s11;
	[sflag:s16] =	ssyncadd.s32 $0xFFFFFFB0  }
0x27: {  	[tilespmem:s22], [sflag:$0x3] =	stream.linear.gather [hbm4b:s28+s3], $0x50, $0x38;
	[tilespmem:$0x18E00] =	vst v63  }
0x28: {  	_ =	swait.ge [sflag:s16], $0x50  }
0x29: {  	[sflag:s16] =	ssyncset.done $0x0  }
0x2a: {  	[sflag:s16] =	ssyncadd.s32 $0xFFFFFFB0  }
0x2b: {  	[tilespmem:s23], [sflag:$0x2] =	stream.indirect.gather [hbm4b:s4+s19], $0x80, s21, s19, $0xb8;
	[tilespmem:$0x18E00] =	vst v63  }
0x2c: {  	_ =	swait.ge [sflag:s24], $0x2800  }
0x2d: {  	[sflag:s24] =	ssyncset.done $0x0  }
0x2e: {  	[sflag:s24] =	ssyncadd.s32 $0xFFFFD800  }
0x2f: {  	[spmem:s2] =	stream.indirect.scatter.add.f32 [tilespmem:s20], [sflag:$0x3], $0x80, s18, s19, $0xb8;
	[tilespmem:$0x18E00] =	vst v63  }
0x30: {  	_ =	swait.ge [sflag:s16], $0x2800  }
0x31: {  	[sflag:s16] =	ssyncset.done $0x0  }
0x32: {  	[sflag:s16] =	ssyncadd.s32 $0xFFFFD800  }
0x33: {  	_ =	swait.ge [sflag:s25], $0x2800  }
0x34: {  	[sflag:s25] =	ssyncset.done $0x0  }
0x35: {  	[sflag:s25] =	ssyncadd.s32 $0xFFFFD800  }
0x36: {  	[spmem:s2] =	stream.indirect.scatter.add.f32 [tilespmem:s23], [sflag:$0x3], $0x80, s22, s19, $0xb8;
	[tilespmem:$0x18E00] =	vst v63  }
0x37: {  	_ =	swait.ge [sflag:s16], $0x2800  }
0x38: {  	s30 =	simm.s32 $0x28;
	s28 =	simm.s32 $0x14;
	[sflag:s16] =	ssyncset.done $0x0  }
.LBB2_2:
0x39: {  	s31 =	sadd.s32 s28, s14  }
0x3a: {  	[sflag:s16] =	ssyncadd.s32 $0xFFFFD800;
	s0 =	smov.u32 s30;
	s29 =	sadd.s32 $0x14, s30  }
0x3b: {  	[tilespmem:s17], [sflag:$0x3] =	stream.linear.gather [hbm4b:s31+s3], $0x50, $0x38;
	[tilespmem:$0x18E00] =	vst v63  }
0x3c: {  	p0 =	sne.s32 s30, $0x4C4;
	_ =	swait.ge [sflag:s16], $0x50  }
0x3d: {  	[sflag:s16] =	ssyncset.done $0x0  }
0x3e: {  	s30 =	sadd.s32 s28, s13;
	[sflag:s16] =	ssyncadd.s32 $0xFFFFFFB0  }
0x3f: {  	[tilespmem:s18], [sflag:$0x3] =	stream.linear.gather [hbm4b:s30+s3], $0x50, $0x38;
	[tilespmem:$0x18E00] =	vst v63  }
0x40: {  	_ =	swait.ge [sflag:s16], $0x50  }
0x41: {  	[sflag:s16] =	ssyncset.done $0x0  }
0x42: {  	[sflag:s16] =	ssyncadd.s32 $0xFFFFFFB0  }
0x43: {  	[tilespmem:s20], [sflag:$0x1] =	stream.indirect.gather [hbm4b:s4+s19], $0x80, s17, s19, $0xb8;
	[tilespmem:$0x18E00] =	vst v63  }
0x44: {  	s30 =	sadd.s32 s28, s12  }
0x45: {  	[tilespmem:s21], [sflag:$0x3] =	stream.linear.gather [hbm4b:s30+s3], $0x50, $0x38;
	[tilespmem:$0x18E00] =	vst v63  }
0x46: {  	_ =	swait.ge [sflag:s16], $0x50  }
0x47: {  	[sflag:s16] =	ssyncset.done $0x0  }
0x48: {  	s30 =	sadd.s32 s28, s11;
	s28 =	smov.u32 s0;
	[sflag:s16] =	ssyncadd.s32 $0xFFFFFFB0  }
0x49: {  	[tilespmem:s22], [sflag:$0x3] =	stream.linear.gather [hbm4b:s30+s3], $0x50, $0x38;
	[tilespmem:$0x18E00] =	vst v63  }
0x4a: {  	_ =	swait.ge [sflag:s16], $0x50  }
0x4b: {  	[sflag:s16] =	ssyncset.done $0x0  }
0x4c: {  	[sflag:s16] =	ssyncadd.s32 $0xFFFFFFB0  }
0x4d: {  	[tilespmem:s23], [sflag:$0x2] =	stream.indirect.gather [hbm4b:s4+s19], $0x80, s21, s19, $0xb8;
	[tilespmem:$0x18E00] =	vst v63  }
0x4e: {  	_ =	swait.ge [sflag:s24], $0x2800  }
0x4f: {  	[sflag:s24] =	ssyncset.done $0x0  }
0x50: {  	[sflag:s24] =	ssyncadd.s32 $0xFFFFD800  }
0x51: {  	[spmem:s2] =	stream.indirect.scatter.add.f32 [tilespmem:s20], [sflag:$0x3], $0x80, s18, s19, $0xb8;
	[tilespmem:$0x18E00] =	vst v63  }
0x52: {  	_ =	swait.ge [sflag:s16], $0x2800  }
0x53: {  	[sflag:s16] =	ssyncset.done $0x0  }
0x54: {  	[sflag:s16] =	ssyncadd.s32 $0xFFFFD800  }
0x55: {  	_ =	swait.ge [sflag:s25], $0x2800  }
.Ltmp0:
0x56: {  	[sflag:s25] =	ssyncset.done $0x0;
	(pc) =	sbr.rel @p0 .LBB2_2-.Ltmp0, $4  }
0x57: {  	[sflag:s25] =	ssyncadd.s32 $0xFFFFD800  }
0x58: {  	[spmem:s2] =	stream.indirect.scatter.add.f32 [tilespmem:s23], [sflag:$0x3], $0x80, s22, s19, $0xb8;
	[tilespmem:$0x18E00] =	vst v63  }
0x59: {  	_ =	swait.ge [sflag:s16], $0x2800  }
0x5a: {  	s30 =	smov.u32 s29;
	[sflag:s16] =	ssyncset.done $0x0  }
0x5b: {  	s0 =	sadd.s32 s28, s14;
	[sflag:s16] =	ssyncadd.s32 $0xFFFFD800  }
0x5c: {  	[tilespmem:s17], [sflag:$0x3] =	stream.linear.gather [hbm4b:s0+s3], $0x50, $0x38;
	[tilespmem:$0x18E00] =	vst v63  }
0x5d: {  	_ =	swait.ge [sflag:s16], $0x50  }
0x5e: {  	[sflag:s16] =	ssyncset.done $0x0  }
0x5f: {  	s29 =	sadd.s32 s28, s13;
	[sflag:s16] =	ssyncadd.s32 $0xFFFFFFB0  }
0x60: {  	[tilespmem:s18], [sflag:$0x3] =	stream.linear.gather [hbm4b:s29+s3], $0x50, $0x38;
	[tilespmem:$0x18E00] =	vst v63  }
0x61: {  	_ =	swait.ge [sflag:s16], $0x50  }
0x62: {  	[sflag:s16] =	ssyncset.done $0x0  }
0x63: {  	[sflag:s16] =	ssyncadd.s32 $0xFFFFFFB0  }
0x64: {  	[tilespmem:s20], [sflag:$0x1] =	stream.indirect.gather [hbm4b:s4+s19], $0x80, s17, s19, $0xb8;
	[tilespmem:$0x18E00] =	vst v63  }
0x65: {  	s30 =	sadd.s32 s28, s12  }
0x66: {  	[tilespmem:s21], [sflag:$0x3] =	stream.linear.gather [hbm4b:s30+s3], $0x50, $0x38;
	[tilespmem:$0x18E00] =	vst v63  }
0x67: {  	_ =	swait.ge [sflag:s16], $0x50  }
0x68: {  	[sflag:s16] =	ssyncset.done $0x0  }
0x69: {  	s31 =	sadd.s32 s28, s11;
	[sflag:s16] =	ssyncadd.s32 $0xFFFFFFB0  }
0x6a: {  	[tilespmem:s22], [sflag:$0x3] =	stream.linear.gather [hbm4b:s31+s3], $0x50, $0x38;
	[tilespmem:$0x18E00] =	vst v63  }
0x6b: {  	_ =	swait.ge [sflag:s16], $0x50  }
0x6c: {  	[sflag:s16] =	ssyncset.done $0x0  }
0x6d: {  	[sflag:s16] =	ssyncadd.s32 $0xFFFFFFB0  }
0x6e: {  	[tilespmem:s23], [sflag:$0x2] =	stream.indirect.gather [hbm4b:s4+s19], $0x80, s21, s19, $0xb8;
	[tilespmem:$0x18E00] =	vst v63  }
0x6f: {  	_ =	swait.ge [sflag:s24], $0x2800  }
0x70: {  	[sflag:s24] =	ssyncset.done $0x0  }
0x71: {  	[sflag:s24] =	ssyncadd.s32 $0xFFFFD800  }
0x72: {  	[spmem:s2] =	stream.indirect.scatter.add.f32 [tilespmem:s20], [sflag:$0x3], $0x80, s18, s19, $0xb8;
	[tilespmem:$0x18E00] =	vst v63  }
0x73: {  	_ =	swait.ge [sflag:s16], $0x2800  }
0x74: {  	[sflag:s16] =	ssyncset.done $0x0  }
0x75: {  	[sflag:s16] =	ssyncadd.s32 $0xFFFFD800  }
0x76: {  	_ =	swait.ge [sflag:s25], $0x2800  }
0x77: {  	[sflag:s25] =	ssyncset.done $0x0  }
0x78: {  	[sflag:s25] =	ssyncadd.s32 $0xFFFFD800  }
0x79: {  	[spmem:s2] =	stream.indirect.scatter.add.f32 [tilespmem:s23], [sflag:$0x3], $0x80, s22, s19, $0xb8;
	[tilespmem:$0x18E00] =	vst v63  }
0x7a: {  	_ =	swait.ge [sflag:s16], $0x2800  }
0x7b: {  	[sflag:s16] =	ssyncset.done $0x0  }
0x7c: {  	[sflag:s16] =	ssyncadd.s32 $0xFFFFD800  }
0x7d: {  	[tilespmem:s17], [sflag:$0x3] =	stream.linear.gather [hbm4b:s7+s3], $0x50, $0x38;
	[tilespmem:$0x18E00] =	vst v63  }
0x7e: {  	_ =	swait.ge [sflag:s16], $0x50  }
0x7f: {  	[sflag:s16] =	ssyncset.done $0x0  }
0x80: {  	[sflag:s16] =	ssyncadd.s32 $0xFFFFFFB0  }
0x81: {  	[tilespmem:s18], [sflag:$0x3] =	stream.linear.gather [hbm4b:s8+s3], $0x50, $0x38;
	[tilespmem:$0x18E00] =	vst v63  }
0x82: {  	_ =	swait.ge [sflag:s16], $0x50  }
0x83: {  	[sflag:s16] =	ssyncset.done $0x0  }
0x84: {  	[sflag:s16] =	ssyncadd.s32 $0xFFFFFFB0  }
0x85: {  	[tilespmem:s20], [sflag:$0x1] =	stream.indirect.gather [hbm4b:s4+s19], $0x80, s17, s19, $0xb8;
	[tilespmem:$0x18E00] =	vst v63  }
0x86: {  	_ =	swait.ge [sflag:s24], $0x2800  }
0x87: {  	[sflag:s24] =	ssyncset.done $0x0  }
0x88: {  	[sflag:s24] =	ssyncadd.s32 $0xFFFFD800  }
0x89: {  	[spmem:s2] =	stream.indirect.scatter.add.f32 [tilespmem:s20], [sflag:$0x3], $0x80, s18, s19, $0xb8;
	[tilespmem:$0x18E00] =	vst v63  }
0x8a: {  	_ =	swait.ge [sflag:s16], $0x2800  }
0x8b: {  	s26 =	sadd.s32 $0x1, s26;
	[sflag:s16] =	ssyncset.done $0x0  }
0x8c: {  	p0 =	sne.s32 s26, s10;
	[sflag:s16] =	ssyncadd.s32 $0xFFFFD800  }
.Ltmp1:
0x8d: {  	[bflag:$0x0] =	sbarrier.arrive $0xFFFF;
	(pc) =	sbr.rel @p0 .LBB2_1-.Ltmp1, $4  }
0x8e: {  	[hbm:s9], [sflag:s6] =	dma.local [spmem:s15], $0x2780  }
0x8f: {  	_ =	swait.ge [sflag:s16], $0x2780  }
0x90: {  	[sflag:s16] =	ssyncset.done $0x0  }
0x91: {  	[sflag:s16] =	ssyncadd.s32 $0xFFFFD880  }
0x92: {  	_ =	sfence.sel $0x180000  }
0x93: {  	[bflag:$0x0] =	sbarrier.arrive $0xFFFF  }
0x94: {  	_ =	strace $0x9000004A  }
0x95: {  	[bflag:$0x2] =	sbarrier.arrive $0xFFFF  }
0x96: {  	p0 =	sne.s32 s1, $0x0;
	s0 =	rddreg [dreg:$0x2]  }
0x97: {  	s0 =	sadd.s32 @!p0 $0x100000, s0  }
0x98: {  	[sflag:s0] =	ssyncadd.tile.s32 @!p0 $0x1;
	_ =	shalt  }
.Lfunc_end2:
_tile_overlayer_lowered:
.L_overlay_start_2:
0x99: {  	(tag) =	ssettag $0x2  }
0x9a: {  	s0 =	rddreg [dreg:$0x0];
	s2 =	stileid.u32  }
0x9b: {  	s1 =	rddreg [dreg:$0x1];
	p0 =	sne.s32 s2, $0x0  }
0x9c: {  	s3 =	rddreg [dreg:$0x2];
	[bflag:$0x3] =	sbarrier.arrive $0xFFFF;
	s2 =	simm.s32 @!p0 $0x1C03  }
0x9d: {  	[timem:s3], [sflag:s2] =	dma.local @!p0 [hbm:s0], s1  }
0x9e: {  	s0 =	simm.s32 @!p0 $0x3  }
0x9f: {  	_ =	swait.ge @!p0 [sflag:s0], s1  }
0xa0: {  	s1 =	ssub.s32 @!p0 $0x0, s1;
	[sflag:s0] =	ssyncset.done @!p0 $0x0  }
0xa1: {  	[sflag:s0] =	ssyncadd.s32 @!p0 s1  }
0xa2: {  	[bflag:$0x3] =	sbarrier.arrive $0xFFFF  }
0xa3: {  	_ =	shalt  }

// kernel: kernel.14.cloned.1.call-start
scs
__scs_entry_jumppad:
0x0: {  	(pc) =	sbr.rel $0x88, $3  }
0x1: {  	(tag) =	ssettag $0x0;
	lr =	simm.s32 $0x1  }
0x2: {  	[smem:$0x3F98] =	sst lr;
	_ =	strace $0xD0000000  }
0x3: {  	_ = 	snop  }
0x4: {  	_ = 	snop  }
0x5: {  	_ = 	snop  }
0x6: {  	_ = 	snop  }
0x7: {  	_ = 	snop  }
__scs_overlays_trampoline_lowered:
0x8: {  	[smem:$0x3FA7] =	sst s0  }
0x9: {  	[smem:$0x3FA8] =	sst s1  }
0xa: {  	[smem:$0x3FA9] =	sst s2  }
0xb: {  	[smem:$0x3FAA] =	sst s3  }
0xc: {  	[smem:$0x3FAB] =	sst s4  }
0xd: {  	[smem:$0x3FAC] =	sst s5  }
0xe: {  	[smem:$0x3FAD] =	sst s6  }
0xf: {  	[smem:$0x3FAE] =	sst s7  }
0x10: {  	[smem:$0x3FAF] =	sst s8  }
0x11: {  	[smem:$0x3FB0] =	sst s9;
	s0 =	simm.s32 @!p0 $0x0  }
0x12: {  	s1 =	sld [smem:$0x3F96];
	s0 =	simm.s32 @p0 $0x1  }
0x13: {  	[smem:$0x3FB1] =	sst s0;
	s0 =	simm.s32 @!p1 $0x0  }
0x14: {  	s2 =	sld [smem:$0x3F95];
	s0 =	simm.s32 @p1 $0x1  }
0x15: {  	[smem:$0x3FB2] =	sst s0;
	s0 =	simm.s32 @!p2 $0x0  }
0x16: {  	s3 =	sld [smem:$0x3FDB];
	s0 =	simm.s32 @p2 $0x1  }
0x17: {  	s4 =	simm.s32 $0x1BF5;
	[smem:$0x3FB4] =	sst s0  }
0x18: {  	s0 =	sld [smem:$0x3F97];
	_ =	swait.ge [sflag:s4], $0x0  }
0x19: {  	s7 =	sld [smem:$0x3F98]  }
0x1a: {  	s8 =	sadd.s32 $0xFFFFE003, lr  }
0x1b: {  	s9 =	sadd.s32 $0xFFFFFEF7, lr;
	s5 =	simm.s32 $0xFFFFFFFF;
	p2 =	slt.u32 s8, $0xFFFFF086  }
0x1c: {  	p1 =	slt.u32 s9, $0xF7A;
	s5 =	simm.s32 @!p2 $0x0  }
0x1d: {  	s5 =	simm.s32 @p1 $0x1;
	p0 =	seq.s32 s7, s2  }
0x1e: {  	s7 =	smul.u32 @!p0 $0xF7A, s2;
	p2 =	seq.s32 @!p0 s5, $0x0  }
0x1f: {  	s9 =	smul.u32 $0xF7A, s1;
	s8 =	simm.s32 @!p0 $0x1BF5;
	p2 =	por !p2, p0  }
0x20: {  	[sflag:s8] =	ssyncset.s32 @!p0 $0xFFFFF086;
	s6 =	sadd.s32 @!p0 s3, s7;
	s7 =	simm.s32 @!p0 $0x108  }
0x21: {  	s3 =	sadd.s32 s3, s9;
	s6 =	sadd.s32 @!p0 $0x88, s6;
	s7 =	simm.s32 @p2 $0x1082  }
0x22: {  	[simem:s7], [sflag:s8] =	dma.local @!p0 [hbm:s6], $0xF7A  }
0x23: {  	s9 =	sor.u32 $0xD0000000, s2;
	s6 =	simm.s32 $0x108;
	_ =	swait.ge @!p0 [sflag:s8], $0x0  }
0x24: {  	s3 =	sadd.s32 $0x88, s3;
	s6 =	simm.s32 @!p1 $0x1082;
	[sflag:s4] =	ssyncset.s32 $0xFFFFF086  }
0x25: {  	[simem:s6], [sflag:s4] =	dma.local [hbm:s3], $0xF7A  }
0x26: {  	[smem:$0x3F98] =	sst s1;
	(tag) =	ssettag s2;
	_ =	strace s9  }
0x27: {  	s1 =	sld [smem:$0x3FA8]  }
0x28: {  	s2 =	sld [smem:$0x3FA9]  }
0x29: {  	s4 =	sld [smem:$0x3FAB]  }
0x2a: {  	p0 =	seq.s32 s5, $0x0;
	s5 =	sld [smem:$0x3FAC]  }
0x2b: {  	s6 =	sld [smem:$0x3FAD]  }
0x2c: {  	s7 =	sld [smem:$0x3FAE]  }
0x2d: {  	s3 =	simm.s32 $0x108;
	s8 =	sld [smem:$0x3FAF]  }
0x2e: {  	s3 =	simm.s32 @!p0 $0x1082;
	s9 =	sld [smem:$0x3FB0]  }
0x2f: {  	lr =	sadd.s32 s0, s3;
	s0 =	sld [smem:$0x3FA7]  }
0x30: {  	s3 =	sld [smem:$0x3FAA]  }
0x31: {  	[smem:$0x3FB3] =	sst s10  }
0x32: {  	s10 =	sld [smem:$0x3FB1];
	_ =	sdelay $0x3  }
0x33: {  	p0 =	seq.s32 s10, $0x1;
	s10 =	sld [smem:$0x3FB3];
	_ =	sdelay $0x3  }
0x34: {  	[smem:$0x3FB3] =	sst s10  }
0x35: {  	s10 =	sld [smem:$0x3FB2];
	_ =	sdelay $0x3  }
0x36: {  	p1 =	seq.s32 s10, $0x1;
	s10 =	sld [smem:$0x3FB3];
	_ =	sdelay $0x3  }
0x37: {  	[smem:$0x3FB3] =	sst s10  }
0x38: {  	s10 =	sld [smem:$0x3FB4]  }
0x39: {  	_ = 	snop;
	(pc) =	sbr.ind lr, $3  }
0x3a: {  	_ = 	snop  }
0x3b: {  	_ = 	snop  }
0x3c: {  	p2 =	seq.s32 s10, $0x1;
	s10 =	sld [smem:$0x3FB3]  }
0x3d: {  	_ =	shalt  }
0x3e: {  	_ =	shalt  }
0x3f: {  	_ =	shalt  }
0x40: {  	_ =	shalt  }
0x41: {  	_ =	shalt  }
0x42: {  	_ =	shalt  }
0x43: {  	_ =	shalt  }
0x44: {  	_ =	shalt  }
0x45: {  	_ =	shalt  }
0x46: {  	_ =	shalt  }
0x47: {  	_ =	shalt  }
0x48: {  	_ =	shalt  }
0x49: {  	_ =	shalt  }
0x4a: {  	_ =	shalt  }
0x4b: {  	_ =	shalt  }
0x4c: {  	_ =	shalt  }
0x4d: {  	_ =	shalt  }
0x4e: {  	_ =	shalt  }
0x4f: {  	_ =	shalt  }
0x50: {  	_ =	shalt  }
0x51: {  	_ =	shalt  }
0x52: {  	_ =	shalt  }
0x53: {  	_ =	shalt  }
0x54: {  	_ =	shalt  }
0x55: {  	_ =	shalt  }
0x56: {  	_ =	shalt  }
0x57: {  	_ =	shalt  }
0x58: {  	_ =	shalt  }
0x59: {  	_ =	shalt  }
0x5a: {  	_ =	shalt  }
0x5b: {  	_ =	shalt  }
0x5c: {  	_ =	shalt  }
0x5d: {  	_ =	shalt  }
0x5e: {  	_ =	shalt  }
0x5f: {  	_ =	shalt  }
0x60: {  	_ =	shalt  }
0x61: {  	_ =	shalt  }
0x62: {  	_ =	shalt  }
0x63: {  	_ =	shalt  }
0x64: {  	_ =	shalt  }
0x65: {  	_ =	shalt  }
0x66: {  	_ =	shalt  }
0x67: {  	_ =	shalt  }
0x68: {  	_ =	shalt  }
0x69: {  	_ =	shalt  }
0x6a: {  	_ =	shalt  }
0x6b: {  	_ =	shalt  }
0x6c: {  	_ =	shalt  }
0x6d: {  	_ =	shalt  }
0x6e: {  	_ =	shalt  }
0x6f: {  	_ =	shalt  }
0x70: {  	_ =	shalt  }
0x71: {  	_ =	shalt  }
0x72: {  	_ =	shalt  }
0x73: {  	_ =	shalt  }
0x74: {  	_ =	shalt  }
0x75: {  	_ =	shalt  }
0x76: {  	_ =	shalt  }
0x77: {  	_ =	shalt  }
0x78: {  	_ =	shalt  }
0x79: {  	_ =	shalt  }
0x7a: {  	_ =	shalt  }
0x7b: {  	_ =	shalt  }
0x7c: {  	_ =	shalt  }
0x7d: {  	_ =	shalt  }
0x7e: {  	_ =	shalt  }
0x7f: {  	_ =	shalt  }
0x80: {  	_ =	shalt  }
0x81: {  	_ =	shalt  }
0x82: {  	_ =	shalt  }
0x83: {  	_ =	shalt  }
0x84: {  	_ =	shalt  }
0x85: {  	_ =	shalt  }
0x86: {  	_ =	shalt  }
0x87: {  	_ =	shalt  }
.Lfunc_end0:
.L_simem_size_0:
called_computation.2_lowered:
.L_overlay_start_0:
0x88: {  	s2 =	sld [smem:$0x3FD9]  }
0x89: {  	s3 =	sld [smem:$0x3FFE];
	_ =	sdelay $0x1  }
0x8a: {  	s1 =	srdreg.scid  }
0x8b: {  	s0 =	sand.u32 $0x1, s1  }
0x8c: {  	s16 =	sshll.u32 s0, $0xA;
	s2 =	sadd.s32 s3, s2  }
0x8d: {  	s2 =	sadd.s32 s2, s16  }
0x8e: {  	[smem:$0x3FBF] =	sst s2  }
0x8f: {  	_ = 	snop  }
0x90: {  	(tm) =	ssettm $0x1  }
0x91: {  	s17 =	sld [smem:$0x3FFB];
	_ =	sdelay $0x3  }
0x92: {  	_ =	strace s17  }
0x93: {  	s2 =	sld [smem:$0x3FFC];
	_ =	sdelay $0x3  }
0x94: {  	_ =	strace s2  }
0x95: {  	s2 =	sld [smem:$0x3FFD];
	_ =	sdelay $0x3  }
0x96: {  	_ =	strace s2  }
0x97: {  	_ =	strace $0x8FFFFFFF  }
0x98: {  	s18 =	sld [smem:$0x3FDB];
	_ =	sdelay $0x1  }
0x99: {  	s19 =	simm.s32 $_scs_section_size  }
0x9a: {  	s4 =	simm.s32 $_size__tile_overlayer_lowered;
	s5 =	simm.s32 $_tile_overlayer_lowered  }
0x9b: {  	s22 =	simm.s32 $0x1BFF;
	s21 =	sshll.u32 s5, $0x1;
	s2 =	sadd.s32 s19, s18  }
0x9c: {  	s6 =	simm.s32 $0x0;
	s20 =	sshll.u32 s4, $0x1;
	s4 =	sadd.s32 s21, s2  }
0x9d: {  	[timem:s6], [sflag:s22] =	dma.local [hbm:s4], s20  }
0x9e: {  	_ =	swait.ge [sflag:s22], s20  }
0x9f: {  	s3 =	ssub.s32 $0x0, s20;
	[sflag:s22] =	ssyncset.done $0x0  }
0xa0: {  	[sflag:s22] =	ssyncadd.s32 s3;
	_ =	sdelay $0x1  }
0xa1: {  	s23 =	simm.s32 $0x1B8B  }
0xa2: {  	_ =	swait.ge [sflag:s23], $0x1  }
0xa3: {  	[sflag:s23] =	ssyncset.done $0x0  }
0xa4: {  	s25 =	simm.s32 $0x1B8E;
	s24 =	sld [smem:$0x3FFE];
	[sflag:s23] =	ssyncadd.s32 $0xFFFFFFFF  }
0xa5: {  	s26 =	simm.s32 $execute0_lowered;
	[smem:$0x3FD2] =	sst s25  }
0xa6: {  	s4 =	sshll.u32 s26, $0x1;
	_ =	strace $0x8000004C;
	[dreg:$0x1] =	wrdreg $0xFFFFFFFF  }
0xa7: {  	s28 =	simm.s32 $_size_execute0_lowered;
	s2 =	sadd.s32 s2, s4;
	[dreg:$0x0] =	wrdreg $0x0  }
0xa8: {  	s4 =	sshll.u32 s28, $0x1;
	[dreg:$0x2] =	wrdreg s2  }
0xa9: {  	[dreg:$0x3] =	wrdreg s4  }
0xaa: {  	[dreg:$0x4] =	wrdreg $0xC0  }
0xab: {  	_ =	task [dreg:s6], $0x5FFFF  }
0xac: {  	[dreg:$0x1] =	wrdreg $0xFFFFFFFF  }
0xad: {  	[dreg:$0x0] =	wrdreg $0x60  }
0xae: {  	[dreg:$0x2] =	wrdreg s24  }
0xaf: {  	[dreg:$0x3] =	wrdreg $0x0  }
0xb0: {  	[dreg:$0x4] =	wrdreg $0x9  }
0xb1: {  	_ =	task.clear_ibuf [dreg:s6], $0x5FFFF;
	_ =	strace $0x9000004C  }
0xb2: {  	s29 =	simm.s32 $0x9;
	_ =	strace $0x8000004E  }
0xb3: {  	_ =	swait.ge [sflag:s29], $0x1  }
0xb4: {  	[sflag:s29] =	ssyncadd.s32 $0xFFFFFFFF  }
0xb5: {  	_ =	strace $0x9000004E  }
0xb6: {  	_ =	sfence  }
0xb7: {  	s30 =	sld [smem:$0x0];
	_ =	sdelay $0x2  }
0xb8: {  	s31 =	sshll.u32 s1, $0xD;
	s1 =	sshrl.u32 s1, $0x2  }
0xb9: {  	s3 =	sand.u32 $0x4000, s31;
	s1 =	sadd.s32 s1, s30  }
0xba: {  	s0 =	sor.u32 s3, s0;
	s1 =	sshll.u32 s1, $0x11  }
0xbb: {  	s0 =	sor.u32 s1, s0  }
0xbc: {  	s0 =	sadd.s32 $0x8F2B, s0  }
0xbd: {  	[sflag:s0] =	ssyncadd.remote.s32 $0x1  }
0xbe: {  	_ =	sfence.sel $0xFFFF  }
0xbf: {  	[dreg:$0x0] =	wrdreg $0xFFFFFFFF;
	(pc) =	sbr.abs _section_cstart, $3  }
0xc0: {  	[dreg:$0x1] =	wrdreg $0xFFFFFFFF  }
0xc1: {  	_ =	task.clear_ibuf [dreg:s6], $0x2FFFF;
	_ =	strace $0x9FFFFFFF  }
0xc2: {  	(tm) =	ssettm $0x7FFFFFFF  }
0xc3: {  	_ =	shalt  }
tec
execute0_lowered:
.L_overlay_start_1:
0x0: {  	(tag) =	ssettag $0x1  }
0x1: {  	s5 =	rddreg [dreg:$0x0]  }
0x2: {  	s2 =	rddreg [dreg:$0x1];
	s3 =	simm.s32 $0x0  }
0x3: {  	s1 =	stileid.u32;
	s4 =	srdreg.scid;
	s18 =	simm.s32 $0x13D00  }
0x4: {  	s19 =	simm.s32 $0x50;
	s20 =	simm.s32 $0x13E00;
	s21 =	simm.s32 $0x13C80  }
0x5: {  	s22 =	simm.s32 $0x13D80;
	[smem:$0x7FF] =	sst s3;
	s6 =	smul.u32 $0x13C00, s1  }
0x6: {  	s7 =	sand.u32 $0x1, s4;
	s4 =	sadd.s32 $0x16000, s5;
	s10 =	smul.u32 $0x4F000, s1  }
0x7: {  	s14 =	sadd.s32 $0x2400, s5;
	s13 =	sadd.s32 $0xC200, s5;
	s11 =	smul.u32 $0x2710, s1  }
0x8: {  	s29 =	sshll.u32 s1, $0x6;
	_ =	strace $0x8000004D;
	s8 =	smul.u32 $0x13C000, s7  }
0x9: {  	s23 =	smul.u32 $0x27100, s7;
	s7 =	ssub.s32 $0x2, s7;
	s9 =	sshrl.u32 s6, $0x3  }
0xa: {  	s24 =	sshrl.u32 s7, $0x1;
	s25 =	sshrl.u32 s10, $0x2;
	s9 =	sadd.s32 s9, s5  }
0xb: {  	s6 =	sadd.s32 s6, s8;
	s26 =	ssub.s32 s7, s24;
	s15 =	sadd.s32 s25, s2  }
0xc: {  	s28 =	sadd.s32 s11, s23;
	s23 =	simm.s32 $0x16600;
	s24 =	simm.s32 $0x1  }
0xd: {  	s25 =	simm.s32 $0x2;
	s6 =	sshrl.u32 s6, $0x3;
	s16 =	sshrl.u32 s28, $0x3  }
0xe: {  	s31 =	sadd.s32 $0x50, s28;
	s10 =	smax.u32 s26, $0x1;
	s15 =	sshrl.u32 s15, $0x3  }
0xf: {  	s26 =	simm.s32 $0x0;
	s12 =	sadd.s32 s6, s5;
	s5 =	sadd.s32 $0x8CE00, s9  }
0x10: {  	s6 =	sor.u32 $0x1C03, s29;
	s30 =	sadd.s32 $0x4D8, s16;
	s17 =	sshrl.u32 s31, $0x3  }
0x11: {  	s7 =	sadd.s32 s14, s30;
	s8 =	sadd.s32 s13, s30;
	s9 =	sadd.s32 $0xB4600, s12  }
0x12: {  	s11 =	sadd.s32 s17, s13;
	s12 =	sadd.s32 s17, s14;
	s13 =	sadd.s32 s16, s13  }
0x13: {  	s14 =	sadd.s32 s16, s14;
	s16 =	simm.s32 $0x3;
	s17 =	simm.s32 $0x13C00  }
.LBB2_1:
0x14: {  	[spmem:s15], [sflag:s6] =	dma.local [hbm:s5], $0x2780  }
0x15: {  	_ =	swait.ge [sflag:s16], $0x2780  }
0x16: {  	[sflag:s16] =	ssyncset.done $0x0  }
0x17: {  	[sflag:s16] =	ssyncadd.s32 $0xFFFFD880  }
0x18: {  	s28 =	sadd.s32 $0x0, s14;
	[bflag:$0x0] =	sbarrier.arrive $0xFFFF  }
0x19: {  	[tilespmem:s17], [sflag:$0x3] =	stream.linear.gather [hbm4b:s28+s3], $0x50, $0x38;
	[tilespmem:$0x18E00] =	vst v63  }
0x1a: {  	_ =	swait.ge [sflag:s16], $0x50  }
0x1b: {  	[sflag:s16] =	ssyncset.done $0x0  }
0x1c: {  	s28 =	sadd.s32 $0x0, s13;
	[sflag:s16] =	ssyncadd.s32 $0xFFFFFFB0  }
0x1d: {  	[tilespmem:s18], [sflag:$0x3] =	stream.linear.gather [hbm4b:s28+s3], $0x50, $0x38;
	[tilespmem:$0x18E00] =	vst v63  }
0x1e: {  	_ =	swait.ge [sflag:s16], $0x50  }
0x1f: {  	[sflag:s16] =	ssyncset.done $0x0  }
0x20: {  	[sflag:s16] =	ssyncadd.s32 $0xFFFFFFB0  }
0x21: {  	[tilespmem:s20], [sflag:$0x1] =	stream.indirect.gather [hbm4b:s4+s19], $0x80, s17, s19, $0xb8;
	[tilespmem:$0x18E00] =	vst v63  }
0x22: {  	s28 =	sadd.s32 $0x0, s12  }
0x23: {  	[tilespmem:s21], [sflag:$0x3] =	stream.linear.gather [hbm4b:s28+s3], $0x50, $0x38;
	[tilespmem:$0x18E00] =	vst v63  }
0x24: {  	_ =	swait.ge [sflag:s16], $0x50  }
0x25: {  	[sflag:s16] =	ssyncset.done $0x0  }
0x26: {  	s28 =	sadd.s32 $0x0, s11;
	[sflag:s16] =	ssyncadd.s32 $0xFFFFFFB0  }
0x27: {  	[tilespmem:s22], [sflag:$0x3] =	stream.linear.gather [hbm4b:s28+s3], $0x50, $0x38;
	[tilespmem:$0x18E00] =	vst v63  }
0x28: {  	_ =	swait.ge [sflag:s16], $0x50  }
0x29: {  	[sflag:s16] =	ssyncset.done $0x0  }
0x2a: {  	[sflag:s16] =	ssyncadd.s32 $0xFFFFFFB0  }
0x2b: {  	[tilespmem:s23], [sflag:$0x2] =	stream.indirect.gather [hbm4b:s4+s19], $0x80, s21, s19, $0xb8;
	[tilespmem:$0x18E00] =	vst v63  }
0x2c: {  	_ =	swait.ge [sflag:s24], $0x2800  }
0x2d: {  	[sflag:s24] =	ssyncset.done $0x0  }
0x2e: {  	[sflag:s24] =	ssyncadd.s32 $0xFFFFD800  }
0x2f: {  	[spmem:s2] =	stream.indirect.scatter.add.f32 [tilespmem:s20], [sflag:$0x3], $0x80, s18, s19, $0xb8;
	[tilespmem:$0x18E00] =	vst v63  }
0x30: {  	_ =	swait.ge [sflag:s16], $0x2800  }
0x31: {  	[sflag:s16] =	ssyncset.done $0x0  }
0x32: {  	[sflag:s16] =	ssyncadd.s32 $0xFFFFD800  }
0x33: {  	_ =	swait.ge [sflag:s25], $0x2800  }
0x34: {  	[sflag:s25] =	ssyncset.done $0x0  }
0x35: {  	[sflag:s25] =	ssyncadd.s32 $0xFFFFD800  }
0x36: {  	[spmem:s2] =	stream.indirect.scatter.add.f32 [tilespmem:s23], [sflag:$0x3], $0x80, s22, s19, $0xb8;
	[tilespmem:$0x18E00] =	vst v63  }
0x37: {  	_ =	swait.ge [sflag:s16], $0x2800  }
0x38: {  	s30 =	simm.s32 $0x28;
	s28 =	simm.s32 $0x14;
	[sflag:s16] =	ssyncset.done $0x0  }
.LBB2_2:
0x39: {  	s31 =	sadd.s32 s28, s14  }
0x3a: {  	[sflag:s16] =	ssyncadd.s32 $0xFFFFD800;
	s0 =	smov.u32 s30;
	s29 =	sadd.s32 $0x14, s30  }
0x3b: {  	[tilespmem:s17], [sflag:$0x3] =	stream.linear.gather [hbm4b:s31+s3], $0x50, $0x38;
	[tilespmem:$0x18E00] =	vst v63  }
0x3c: {  	p0 =	sne.s32 s30, $0x4C4;
	_ =	swait.ge [sflag:s16], $0x50  }
0x3d: {  	[sflag:s16] =	ssyncset.done $0x0  }
0x3e: {  	s30 =	sadd.s32 s28, s13;
	[sflag:s16] =	ssyncadd.s32 $0xFFFFFFB0  }
0x3f: {  	[tilespmem:s18], [sflag:$0x3] =	stream.linear.gather [hbm4b:s30+s3], $0x50, $0x38;
	[tilespmem:$0x18E00] =	vst v63  }
0x40: {  	_ =	swait.ge [sflag:s16], $0x50  }
0x41: {  	[sflag:s16] =	ssyncset.done $0x0  }
0x42: {  	[sflag:s16] =	ssyncadd.s32 $0xFFFFFFB0  }
0x43: {  	[tilespmem:s20], [sflag:$0x1] =	stream.indirect.gather [hbm4b:s4+s19], $0x80, s17, s19, $0xb8;
	[tilespmem:$0x18E00] =	vst v63  }
0x44: {  	s30 =	sadd.s32 s28, s12  }
0x45: {  	[tilespmem:s21], [sflag:$0x3] =	stream.linear.gather [hbm4b:s30+s3], $0x50, $0x38;
	[tilespmem:$0x18E00] =	vst v63  }
0x46: {  	_ =	swait.ge [sflag:s16], $0x50  }
0x47: {  	[sflag:s16] =	ssyncset.done $0x0  }
0x48: {  	s30 =	sadd.s32 s28, s11;
	s28 =	smov.u32 s0;
	[sflag:s16] =	ssyncadd.s32 $0xFFFFFFB0  }
0x49: {  	[tilespmem:s22], [sflag:$0x3] =	stream.linear.gather [hbm4b:s30+s3], $0x50, $0x38;
	[tilespmem:$0x18E00] =	vst v63  }
0x4a: {  	_ =	swait.ge [sflag:s16], $0x50  }
0x4b: {  	[sflag:s16] =	ssyncset.done $0x0  }
0x4c: {  	[sflag:s16] =	ssyncadd.s32 $0xFFFFFFB0  }
0x4d: {  	[tilespmem:s23], [sflag:$0x2] =	stream.indirect.gather [hbm4b:s4+s19], $0x80, s21, s19, $0xb8;
	[tilespmem:$0x18E00] =	vst v63  }
0x4e: {  	_ =	swait.ge [sflag:s24], $0x2800  }
0x4f: {  	[sflag:s24] =	ssyncset.done $0x0  }
0x50: {  	[sflag:s24] =	ssyncadd.s32 $0xFFFFD800  }
0x51: {  	[spmem:s2] =	stream.indirect.scatter.add.f32 [tilespmem:s20], [sflag:$0x3], $0x80, s18, s19, $0xb8;
	[tilespmem:$0x18E00] =	vst v63  }
0x52: {  	_ =	swait.ge [sflag:s16], $0x2800  }
0x53: {  	[sflag:s16] =	ssyncset.done $0x0  }
0x54: {  	[sflag:s16] =	ssyncadd.s32 $0xFFFFD800  }
0x55: {  	_ =	swait.ge [sflag:s25], $0x2800  }
.Ltmp0:
0x56: {  	[sflag:s25] =	ssyncset.done $0x0;
	(pc) =	sbr.rel @p0 .LBB2_2-.Ltmp0, $4  }
0x57: {  	[sflag:s25] =	ssyncadd.s32 $0xFFFFD800  }
0x58: {  	[spmem:s2] =	stream.indirect.scatter.add.f32 [tilespmem:s23], [sflag:$0x3], $0x80, s22, s19, $0xb8;
	[tilespmem:$0x18E00] =	vst v63  }
0x59: {  	_ =	swait.ge [sflag:s16], $0x2800  }
0x5a: {  	s30 =	smov.u32 s29;
	[sflag:s16] =	ssyncset.done $0x0  }
0x5b: {  	s0 =	sadd.s32 s28, s14;
	[sflag:s16] =	ssyncadd.s32 $0xFFFFD800  }
0x5c: {  	[tilespmem:s17], [sflag:$0x3] =	stream.linear.gather [hbm4b:s0+s3], $0x50, $0x38;
	[tilespmem:$0x18E00] =	vst v63  }
0x5d: {  	_ =	swait.ge [sflag:s16], $0x50  }
0x5e: {  	[sflag:s16] =	ssyncset.done $0x0  }
0x5f: {  	s29 =	sadd.s32 s28, s13;
	[sflag:s16] =	ssyncadd.s32 $0xFFFFFFB0  }
0x60: {  	[tilespmem:s18], [sflag:$0x3] =	stream.linear.gather [hbm4b:s29+s3], $0x50, $0x38;
	[tilespmem:$0x18E00] =	vst v63  }
0x61: {  	_ =	swait.ge [sflag:s16], $0x50  }
0x62: {  	[sflag:s16] =	ssyncset.done $0x0  }
0x63: {  	[sflag:s16] =	ssyncadd.s32 $0xFFFFFFB0  }
0x64: {  	[tilespmem:s20], [sflag:$0x1] =	stream.indirect.gather [hbm4b:s4+s19], $0x80, s17, s19, $0xb8;
	[tilespmem:$0x18E00] =	vst v63  }
0x65: {  	s30 =	sadd.s32 s28, s12  }
0x66: {  	[tilespmem:s21], [sflag:$0x3] =	stream.linear.gather [hbm4b:s30+s3], $0x50, $0x38;
	[tilespmem:$0x18E00] =	vst v63  }
0x67: {  	_ =	swait.ge [sflag:s16], $0x50  }
0x68: {  	[sflag:s16] =	ssyncset.done $0x0  }
0x69: {  	s31 =	sadd.s32 s28, s11;
	[sflag:s16] =	ssyncadd.s32 $0xFFFFFFB0  }
0x6a: {  	[tilespmem:s22], [sflag:$0x3] =	stream.linear.gather [hbm4b:s31+s3], $0x50, $0x38;
	[tilespmem:$0x18E00] =	vst v63  }
0x6b: {  	_ =	swait.ge [sflag:s16], $0x50  }
0x6c: {  	[sflag:s16] =	ssyncset.done $0x0  }
0x6d: {  	[sflag:s16] =	ssyncadd.s32 $0xFFFFFFB0  }
0x6e: {  	[tilespmem:s23], [sflag:$0x2] =	stream.indirect.gather [hbm4b:s4+s19], $0x80, s21, s19, $0xb8;
	[tilespmem:$0x18E00] =	vst v63  }
0x6f: {  	_ =	swait.ge [sflag:s24], $0x2800  }
0x70: {  	[sflag:s24] =	ssyncset.done $0x0  }
0x71: {  	[sflag:s24] =	ssyncadd.s32 $0xFFFFD800  }
0x72: {  	[spmem:s2] =	stream.indirect.scatter.add.f32 [tilespmem:s20], [sflag:$0x3], $0x80, s18, s19, $0xb8;
	[tilespmem:$0x18E00] =	vst v63  }
0x73: {  	_ =	swait.ge [sflag:s16], $0x2800  }
0x74: {  	[sflag:s16] =	ssyncset.done $0x0  }
0x75: {  	[sflag:s16] =	ssyncadd.s32 $0xFFFFD800  }
0x76: {  	_ =	swait.ge [sflag:s25], $0x2800  }
0x77: {  	[sflag:s25] =	ssyncset.done $0x0  }
0x78: {  	[sflag:s25] =	ssyncadd.s32 $0xFFFFD800  }
0x79: {  	[spmem:s2] =	stream.indirect.scatter.add.f32 [tilespmem:s23], [sflag:$0x3], $0x80, s22, s19, $0xb8;
	[tilespmem:$0x18E00] =	vst v63  }
0x7a: {  	_ =	swait.ge [sflag:s16], $0x2800  }
0x7b: {  	[sflag:s16] =	ssyncset.done $0x0  }
0x7c: {  	[sflag:s16] =	ssyncadd.s32 $0xFFFFD800  }
0x7d: {  	[tilespmem:s17], [sflag:$0x3] =	stream.linear.gather [hbm4b:s7+s3], $0x50, $0x38;
	[tilespmem:$0x18E00] =	vst v63  }
0x7e: {  	_ =	swait.ge [sflag:s16], $0x50  }
0x7f: {  	[sflag:s16] =	ssyncset.done $0x0  }
0x80: {  	[sflag:s16] =	ssyncadd.s32 $0xFFFFFFB0  }
0x81: {  	[tilespmem:s18], [sflag:$0x3] =	stream.linear.gather [hbm4b:s8+s3], $0x50, $0x38;
	[tilespmem:$0x18E00] =	vst v63  }
0x82: {  	_ =	swait.ge [sflag:s16], $0x50  }
0x83: {  	[sflag:s16] =	ssyncset.done $0x0  }
0x84: {  	[sflag:s16] =	ssyncadd.s32 $0xFFFFFFB0  }
0x85: {  	[tilespmem:s20], [sflag:$0x1] =	stream.indirect.gather [hbm4b:s4+s19], $0x80, s17, s19, $0xb8;
	[tilespmem:$0x18E00] =	vst v63  }
0x86: {  	_ =	swait.ge [sflag:s24], $0x2800  }
0x87: {  	[sflag:s24] =	ssyncset.done $0x0  }
0x88: {  	[sflag:s24] =	ssyncadd.s32 $0xFFFFD800  }
0x89: {  	[spmem:s2] =	stream.indirect.scatter.add.f32 [tilespmem:s20], [sflag:$0x3], $0x80, s18, s19, $0xb8;
	[tilespmem:$0x18E00] =	vst v63  }
0x8a: {  	_ =	swait.ge [sflag:s16], $0x2800  }
0x8b: {  	s26 =	sadd.s32 $0x1, s26;
	[sflag:s16] =	ssyncset.done $0x0  }
0x8c: {  	p0 =	sne.s32 s26, s10;
	[sflag:s16] =	ssyncadd.s32 $0xFFFFD800  }
.Ltmp1:
0x8d: {  	[bflag:$0x0] =	sbarrier.arrive $0xFFFF;
	(pc) =	sbr.rel @p0 .LBB2_1-.Ltmp1, $4  }
0x8e: {  	[hbm:s9], [sflag:s6] =	dma.local [spmem:s15], $0x2780  }
0x8f: {  	_ =	swait.ge [sflag:s16], $0x2780  }
0x90: {  	[sflag:s16] =	ssyncset.done $0x0  }
0x91: {  	[sflag:s16] =	ssyncadd.s32 $0xFFFFD880  }
0x92: {  	_ =	sfence.sel $0x180000  }
0x93: {  	[bflag:$0x0] =	sbarrier.arrive $0xFFFF  }
0x94: {  	_ =	strace $0x9000004D  }
0x95: {  	[bflag:$0x2] =	sbarrier.arrive $0xFFFF  }
0x96: {  	p0 =	sne.s32 s1, $0x0;
	s0 =	rddreg [dreg:$0x2]  }
0x97: {  	s0 =	sadd.s32 @!p0 $0x100000, s0  }
0x98: {  	[sflag:s0] =	ssyncadd.tile.s32 @!p0 $0x1;
	_ =	shalt  }
.Lfunc_end2:
_tile_overlayer_lowered:
.L_overlay_start_2:
0x99: {  	(tag) =	ssettag $0x2  }
0x9a: {  	s0 =	rddreg [dreg:$0x0];
	s2 =	stileid.u32  }
0x9b: {  	s1 =	rddreg [dreg:$0x1];
	p0 =	sne.s32 s2, $0x0  }
0x9c: {  	s3 =	rddreg [dreg:$0x2];
	[bflag:$0x3] =	sbarrier.arrive $0xFFFF;
	s2 =	simm.s32 @!p0 $0x1C03  }
0x9d: {  	[timem:s3], [sflag:s2] =	dma.local @!p0 [hbm:s0], s1  }
0x9e: {  	s0 =	simm.s32 @!p0 $0x3  }
0x9f: {  	_ =	swait.ge @!p0 [sflag:s0], s1  }
0xa0: {  	s1 =	ssub.s32 @!p0 $0x0, s1;
	[sflag:s0] =	ssyncset.done @!p0 $0x0  }
0xa1: {  	[sflag:s0] =	ssyncadd.s32 @!p0 s1  }
0xa2: {  	[bflag:$0x3] =	sbarrier.arrive $0xFFFF  }
0xa3: {  	_ =	shalt  }

// kernel: kernel.8.cloned.1.call-start
scs
__scs_entry_jumppad:
0x0: {  	(pc) =	sbr.rel $0x88, $3  }
0x1: {  	(tag) =	ssettag $0x0;
	lr =	simm.s32 $0x1  }
0x2: {  	[smem:$0x3F98] =	sst lr;
	_ =	strace $0xD0000000  }
0x3: {  	_ = 	snop  }
0x4: {  	_ = 	snop  }
0x5: {  	_ = 	snop  }
0x6: {  	_ = 	snop  }
0x7: {  	_ = 	snop  }
__scs_overlays_trampoline_lowered:
0x8: {  	[smem:$0x3FA7] =	sst s0  }
0x9: {  	[smem:$0x3FA8] =	sst s1  }
0xa: {  	[smem:$0x3FA9] =	sst s2  }
0xb: {  	[smem:$0x3FAA] =	sst s3  }
0xc: {  	[smem:$0x3FAB] =	sst s4  }
0xd: {  	[smem:$0x3FAC] =	sst s5  }
0xe: {  	[smem:$0x3FAD] =	sst s6  }
0xf: {  	[smem:$0x3FAE] =	sst s7  }
0x10: {  	[smem:$0x3FAF] =	sst s8  }
0x11: {  	[smem:$0x3FB0] =	sst s9;
	s0 =	simm.s32 @!p0 $0x0  }
0x12: {  	s1 =	sld [smem:$0x3F96];
	s0 =	simm.s32 @p0 $0x1  }
0x13: {  	[smem:$0x3FB1] =	sst s0;
	s0 =	simm.s32 @!p1 $0x0  }
0x14: {  	s2 =	sld [smem:$0x3F95];
	s0 =	simm.s32 @p1 $0x1  }
0x15: {  	[smem:$0x3FB2] =	sst s0;
	s0 =	simm.s32 @!p2 $0x0  }
0x16: {  	s3 =	sld [smem:$0x3FDB];
	s0 =	simm.s32 @p2 $0x1  }
0x17: {  	s4 =	simm.s32 $0x1BF5;
	[smem:$0x3FB4] =	sst s0  }
0x18: {  	s0 =	sld [smem:$0x3F97];
	_ =	swait.ge [sflag:s4], $0x0  }
0x19: {  	s7 =	sld [smem:$0x3F98]  }
0x1a: {  	s8 =	sadd.s32 $0xFFFFE003, lr  }
0x1b: {  	s9 =	sadd.s32 $0xFFFFFEF7, lr;
	s5 =	simm.s32 $0xFFFFFFFF;
	p2 =	slt.u32 s8, $0xFFFFF086  }
0x1c: {  	p1 =	slt.u32 s9, $0xF7A;
	s5 =	simm.s32 @!p2 $0x0  }
0x1d: {  	s5 =	simm.s32 @p1 $0x1;
	p0 =	seq.s32 s7, s2  }
0x1e: {  	s7 =	smul.u32 @!p0 $0xF7A, s2;
	p2 =	seq.s32 @!p0 s5, $0x0  }
0x1f: {  	s9 =	smul.u32 $0xF7A, s1;
	s8 =	simm.s32 @!p0 $0x1BF5;
	p2 =	por !p2, p0  }
0x20: {  	[sflag:s8] =	ssyncset.s32 @!p0 $0xFFFFF086;
	s6 =	sadd.s32 @!p0 s3, s7;
	s7 =	simm.s32 @!p0 $0x108  }
0x21: {  	s3 =	sadd.s32 s3, s9;
	s6 =	sadd.s32 @!p0 $0x88, s6;
	s7 =	simm.s32 @p2 $0x1082  }
0x22: {  	[simem:s7], [sflag:s8] =	dma.local @!p0 [hbm:s6], $0xF7A  }
0x23: {  	s9 =	sor.u32 $0xD0000000, s2;
	s6 =	simm.s32 $0x108;
	_ =	swait.ge @!p0 [sflag:s8], $0x0  }
0x24: {  	s3 =	sadd.s32 $0x88, s3;
	s6 =	simm.s32 @!p1 $0x1082;
	[sflag:s4] =	ssyncset.s32 $0xFFFFF086  }
0x25: {  	[simem:s6], [sflag:s4] =	dma.local [hbm:s3], $0xF7A  }
0x26: {  	[smem:$0x3F98] =	sst s1;
	(tag) =	ssettag s2;
	_ =	strace s9  }
0x27: {  	s1 =	sld [smem:$0x3FA8]  }
0x28: {  	s2 =	sld [smem:$0x3FA9]  }
0x29: {  	s4 =	sld [smem:$0x3FAB]  }
0x2a: {  	p0 =	seq.s32 s5, $0x0;
	s5 =	sld [smem:$0x3FAC]  }
0x2b: {  	s6 =	sld [smem:$0x3FAD]  }
0x2c: {  	s7 =	sld [smem:$0x3FAE]  }
0x2d: {  	s3 =	simm.s32 $0x108;
	s8 =	sld [smem:$0x3FAF]  }
0x2e: {  	s3 =	simm.s32 @!p0 $0x1082;
	s9 =	sld [smem:$0x3FB0]  }
0x2f: {  	lr =	sadd.s32 s0, s3;
	s0 =	sld [smem:$0x3FA7]  }
0x30: {  	s3 =	sld [smem:$0x3FAA]  }
0x31: {  	[smem:$0x3FB3] =	sst s10  }
0x32: {  	s10 =	sld [smem:$0x3FB1];
	_ =	sdelay $0x3  }
0x33: {  	p0 =	seq.s32 s10, $0x1;
	s10 =	sld [smem:$0x3FB3];
	_ =	sdelay $0x3  }
0x34: {  	[smem:$0x3FB3] =	sst s10  }
0x35: {  	s10 =	sld [smem:$0x3FB2];
	_ =	sdelay $0x3  }
0x36: {  	p1 =	seq.s32 s10, $0x1;
	s10 =	sld [smem:$0x3FB3];
	_ =	sdelay $0x3  }
0x37: {  	[smem:$0x3FB3] =	sst s10  }
0x38: {  	s10 =	sld [smem:$0x3FB4]  }
0x39: {  	_ = 	snop;
	(pc) =	sbr.ind lr, $3  }
0x3a: {  	_ = 	snop  }
0x3b: {  	_ = 	snop  }
0x3c: {  	p2 =	seq.s32 s10, $0x1;
	s10 =	sld [smem:$0x3FB3]  }
0x3d: {  	_ =	shalt  }
0x3e: {  	_ =	shalt  }
0x3f: {  	_ =	shalt  }
0x40: {  	_ =	shalt  }
0x41: {  	_ =	shalt  }
0x42: {  	_ =	shalt  }
0x43: {  	_ =	shalt  }
0x44: {  	_ =	shalt  }
0x45: {  	_ =	shalt  }
0x46: {  	_ =	shalt  }
0x47: {  	_ =	shalt  }
0x48: {  	_ =	shalt  }
0x49: {  	_ =	shalt  }
0x4a: {  	_ =	shalt  }
0x4b: {  	_ =	shalt  }
0x4c: {  	_ =	shalt  }
0x4d: {  	_ =	shalt  }
0x4e: {  	_ =	shalt  }
0x4f: {  	_ =	shalt  }
0x50: {  	_ =	shalt  }
0x51: {  	_ =	shalt  }
0x52: {  	_ =	shalt  }
0x53: {  	_ =	shalt  }
0x54: {  	_ =	shalt  }
0x55: {  	_ =	shalt  }
0x56: {  	_ =	shalt  }
0x57: {  	_ =	shalt  }
0x58: {  	_ =	shalt  }
0x59: {  	_ =	shalt  }
0x5a: {  	_ =	shalt  }
0x5b: {  	_ =	shalt  }
0x5c: {  	_ =	shalt  }
0x5d: {  	_ =	shalt  }
0x5e: {  	_ =	shalt  }
0x5f: {  	_ =	shalt  }
0x60: {  	_ =	shalt  }
0x61: {  	_ =	shalt  }
0x62: {  	_ =	shalt  }
0x63: {  	_ =	shalt  }
0x64: {  	_ =	shalt  }
0x65: {  	_ =	shalt  }
0x66: {  	_ =	shalt  }
0x67: {  	_ =	shalt  }
0x68: {  	_ =	shalt  }
0x69: {  	_ =	shalt  }
0x6a: {  	_ =	shalt  }
0x6b: {  	_ =	shalt  }
0x6c: {  	_ =	shalt  }
0x6d: {  	_ =	shalt  }
0x6e: {  	_ =	shalt  }
0x6f: {  	_ =	shalt  }
0x70: {  	_ =	shalt  }
0x71: {  	_ =	shalt  }
0x72: {  	_ =	shalt  }
0x73: {  	_ =	shalt  }
0x74: {  	_ =	shalt  }
0x75: {  	_ =	shalt  }
0x76: {  	_ =	shalt  }
0x77: {  	_ =	shalt  }
0x78: {  	_ =	shalt  }
0x79: {  	_ =	shalt  }
0x7a: {  	_ =	shalt  }
0x7b: {  	_ =	shalt  }
0x7c: {  	_ =	shalt  }
0x7d: {  	_ =	shalt  }
0x7e: {  	_ =	shalt  }
0x7f: {  	_ =	shalt  }
0x80: {  	_ =	shalt  }
0x81: {  	_ =	shalt  }
0x82: {  	_ =	shalt  }
0x83: {  	_ =	shalt  }
0x84: {  	_ =	shalt  }
0x85: {  	_ =	shalt  }
0x86: {  	_ =	shalt  }
0x87: {  	_ =	shalt  }
.Lfunc_end0:
.L_simem_size_0:
called_computation_lowered:
.L_overlay_start_0:
0x88: {  	s2 =	sld [smem:$0x3FD9]  }
0x89: {  	s3 =	sld [smem:$0x3FFE];
	_ =	sdelay $0x1  }
0x8a: {  	s1 =	srdreg.scid  }
0x8b: {  	s0 =	sand.u32 $0x1, s1  }
0x8c: {  	s16 =	sshll.u32 s0, $0xA;
	s2 =	sadd.s32 s3, s2  }
0x8d: {  	s2 =	sadd.s32 s2, s16  }
0x8e: {  	[smem:$0x3FBF] =	sst s2  }
0x8f: {  	_ = 	snop  }
0x90: {  	(tm) =	ssettm $0x1  }
0x91: {  	s17 =	sld [smem:$0x3FFB];
	_ =	sdelay $0x3  }
0x92: {  	_ =	strace s17  }
0x93: {  	s2 =	sld [smem:$0x3FFC];
	_ =	sdelay $0x3  }
0x94: {  	_ =	strace s2  }
0x95: {  	s2 =	sld [smem:$0x3FFD];
	_ =	sdelay $0x3  }
0x96: {  	_ =	strace s2  }
0x97: {  	_ =	strace $0x8FFFFFFF  }
0x98: {  	s18 =	sld [smem:$0x3FDB];
	_ =	sdelay $0x1  }
0x99: {  	s19 =	simm.s32 $_scs_section_size  }
0x9a: {  	s4 =	simm.s32 $_size__tile_overlayer_lowered;
	s5 =	simm.s32 $_tile_overlayer_lowered  }
0x9b: {  	s22 =	simm.s32 $0x1BFF;
	s21 =	sshll.u32 s5, $0x1;
	s2 =	sadd.s32 s19, s18  }
0x9c: {  	s6 =	simm.s32 $0x0;
	s20 =	sshll.u32 s4, $0x1;
	s4 =	sadd.s32 s21, s2  }
0x9d: {  	[timem:s6], [sflag:s22] =	dma.local [hbm:s4], s20  }
0x9e: {  	_ =	swait.ge [sflag:s22], s20  }
0x9f: {  	s3 =	ssub.s32 $0x0, s20;
	[sflag:s22] =	ssyncset.done $0x0  }
0xa0: {  	[sflag:s22] =	ssyncadd.s32 s3;
	_ =	sdelay $0x1  }
0xa1: {  	s23 =	simm.s32 $0x1B8B  }
0xa2: {  	_ =	swait.ge [sflag:s23], $0x1  }
0xa3: {  	[sflag:s23] =	ssyncset.done $0x0  }
0xa4: {  	s25 =	simm.s32 $0x1B8E;
	s24 =	sld [smem:$0x3FFE];
	[sflag:s23] =	ssyncadd.s32 $0xFFFFFFFF  }
0xa5: {  	s26 =	simm.s32 $execute0_lowered;
	[smem:$0x3FD2] =	sst s25  }
0xa6: {  	s4 =	sshll.u32 s26, $0x1;
	_ =	strace $0x80000046;
	[dreg:$0x1] =	wrdreg $0xFFFFFFFF  }
0xa7: {  	s28 =	simm.s32 $_size_execute0_lowered;
	s2 =	sadd.s32 s2, s4;
	[dreg:$0x0] =	wrdreg $0x0  }
0xa8: {  	s4 =	sshll.u32 s28, $0x1;
	[dreg:$0x2] =	wrdreg s2  }
0xa9: {  	[dreg:$0x3] =	wrdreg s4  }
0xaa: {  	[dreg:$0x4] =	wrdreg $0xC0  }
0xab: {  	_ =	task [dreg:s6], $0x5FFFF  }
0xac: {  	[dreg:$0x1] =	wrdreg $0xFFFFFFFF  }
0xad: {  	[dreg:$0x0] =	wrdreg $0x60  }
0xae: {  	[dreg:$0x2] =	wrdreg s24  }
0xaf: {  	[dreg:$0x3] =	wrdreg $0x0  }
0xb0: {  	[dreg:$0x4] =	wrdreg $0x9  }
0xb1: {  	_ =	task.clear_ibuf [dreg:s6], $0x5FFFF;
	_ =	strace $0x90000046  }
0xb2: {  	s29 =	simm.s32 $0x9;
	_ =	strace $0x80000048  }
0xb3: {  	_ =	swait.ge [sflag:s29], $0x1  }
0xb4: {  	[sflag:s29] =	ssyncadd.s32 $0xFFFFFFFF  }
0xb5: {  	_ =	strace $0x90000048  }
0xb6: {  	_ =	sfence  }
0xb7: {  	s30 =	sld [smem:$0x0];
	_ =	sdelay $0x2  }
0xb8: {  	s31 =	sshll.u32 s1, $0xD;
	s1 =	sshrl.u32 s1, $0x2  }
0xb9: {  	s3 =	sand.u32 $0x4000, s31;
	s1 =	sadd.s32 s1, s30  }
0xba: {  	s0 =	sor.u32 s3, s0;
	s1 =	sshll.u32 s1, $0x11  }
0xbb: {  	s0 =	sor.u32 s1, s0  }
0xbc: {  	s0 =	sadd.s32 $0x8F2B, s0  }
0xbd: {  	[sflag:s0] =	ssyncadd.remote.s32 $0x1  }
0xbe: {  	_ =	sfence.sel $0xFFFF  }
0xbf: {  	[dreg:$0x0] =	wrdreg $0xFFFFFFFF;
	(pc) =	sbr.abs _section_cstart, $3  }
0xc0: {  	[dreg:$0x1] =	wrdreg $0xFFFFFFFF  }
0xc1: {  	_ =	task.clear_ibuf [dreg:s6], $0x2FFFF;
	_ =	strace $0x9FFFFFFF  }
0xc2: {  	(tm) =	ssettm $0x7FFFFFFF  }
0xc3: {  	_ =	shalt  }
tec
execute0_lowered:
.L_overlay_start_1:
0x0: {  	(tag) =	ssettag $0x1  }
0x1: {  	s5 =	rddreg [dreg:$0x0]  }
0x2: {  	s0 =	srdreg.scid;
	s2 =	rddreg [dreg:$0x1]  }
0x3: {  	s1 =	rddreg [dreg:$0x2];
	s4 =	sand.u32 $0x1, s0  }
0x4: {  	s0 =	stileid.u32;
	s6 =	smul.u32 $0x27100, s4  }
0x5: {  	s3 =	simm.s32 $0x0;
	s12 =	simm.s32 $0x2800;
	s7 =	smul.u32 $0x2710, s0  }
0x6: {  	s13 =	simm.s32 $0x2780;
	s14 =	simm.s32 $0x50;
	s8 =	smul.u32 $0x13C00, s0  }
0x7: {  	s15 =	simm.s32 $0x0;
	[smem:$0x7FF] =	sst s3;
	s24 =	smul.u32 $0x13C000, s4  }
0x8: {  	_ =	strace $0x80000047;
	s26 =	ssub.s32 $0x2, s4;
	s28 =	smul.u32 $0x4F000, s0  }
0x9: {  	s4 =	sadd.s32 $0x3D800, s5;
	s31 =	sshll.u32 s0, $0x6;
	s29 =	sshrl.u32 s26, $0x1  }
0xa: {  	s6 =	sadd.s32 s7, s6;
	s9 =	sshrl.u32 s8, $0x3;
	s7 =	sadd.s32 s8, s24  }
0xb: {  	s8 =	ssub.s32 s26, s29;
	s30 =	sshrl.u32 s28, $0x2;
	s6 =	sshrl.u32 s6, $0x3  }
0xc: {  	s25 =	sadd.s32 s9, s5;
	s7 =	sshrl.u32 s7, $0x3;
	s11 =	sadd.s32 s30, s2  }
0xd: {  	s8 =	smax.u32 s8, $0x1;
	s10 =	sadd.s32 s6, s5;
	s7 =	sadd.s32 s7, s5  }
0xe: {  	s5 =	sadd.s32 $0x16000, s25;
	s6 =	sor.u32 $0x1C01, s31;
	s7 =	sadd.s32 $0x3DE00, s7  }
0xf: {  	s9 =	sadd.s32 $0xC200, s10;
	s10 =	sshrl.u32 s11, $0x3;
	s11 =	simm.s32 $0x1  }
.LBB2_1:
0x10: {  	[spmem:s10], [sflag:s6] =	dma.local [hbm:s5], $0x2780  }
0x11: {  	_ =	swait.ge [sflag:s11], $0x2780  }
0x12: {  	[sflag:s11] =	ssyncset.done $0x0  }
0x13: {  	[sflag:s11] =	ssyncadd.s32 $0xFFFFD880  }
0x14: {  	[tilespmem:s12], [sflag:$0x1] =	stream.linear.gather [hbm4b:s4+s3], $0x2800, $0x38;
	[tilespmem:$0x5000] =	vst v63  }
0x15: {  	_ =	swait.ge [sflag:s11], $0x2800  }
0x16: {  	[sflag:s11] =	ssyncset.done $0x0  }
0x17: {  	[sflag:s11] =	ssyncadd.s32 $0xFFFFD800  }
0x18: {  	s16 =	sadd.s32 $0x0, s9;
	[bflag:$0x0] =	sbarrier.arrive $0xFFFF  }
0x19: {  	[tilespmem:s13], [sflag:$0x1] =	stream.linear.gather [hbm4b:s16+s3], $0x50, $0x38;
	[tilespmem:$0x5000] =	vst v63  }
0x1a: {  	_ =	swait.ge [sflag:s11], $0x50  }
0x1b: {  	[sflag:s11] =	ssyncset.done $0x0  }
0x1c: {  	[sflag:s11] =	ssyncadd.s32 $0xFFFFFFB0  }
0x1d: {  	[spmem:s2] =	stream.indirect.scatter.add.f32 [tilespmem:s12], [sflag:$0x1], $0x10, s13, s14, $0xb8;
	[tilespmem:$0x5000] =	vst v63  }
0x1e: {  	_ =	swait.ge [sflag:s11], $0x500  }
0x1f: {  	s17 =	simm.s32 $0x14;
	s16 =	simm.s32 $0xA;
	[sflag:s11] =	ssyncset.done $0x0  }
.LBB2_2:
0x20: {  	s18 =	sadd.s32 s16, s9  }
0x21: {  	[sflag:s11] =	ssyncadd.s32 $0xFFFFFB00;
	s16 =	smov.u32 s17;
	s19 =	sadd.s32 $0xA, s17  }
0x22: {  	[tilespmem:s13], [sflag:$0x1] =	stream.linear.gather [hbm4b:s18+s3], $0x50, $0x38;
	[tilespmem:$0x5000] =	vst v63  }
0x23: {  	p0 =	sne.s32 s17, $0x4D8;
	_ =	swait.ge [sflag:s11], $0x50  }
.Ltmp0:
0x24: {  	[sflag:s11] =	ssyncset.done $0x0;
	(pc) =	sbr.rel @p0 .LBB2_2-.Ltmp0, $4  }
0x25: {  	[sflag:s11] =	ssyncadd.s32 $0xFFFFFFB0  }
0x26: {  	[spmem:s2] =	stream.indirect.scatter.add.f32 [tilespmem:s12], [sflag:$0x1], $0x10, s13, s14, $0xb8;
	[tilespmem:$0x5000] =	vst v63  }
0x27: {  	_ =	swait.ge [sflag:s11], $0x500  }
0x28: {  	s17 =	smov.u32 s19;
	[sflag:s11] =	ssyncset.done $0x0  }
0x29: {  	s16 =	sadd.s32 s16, s9;
	[sflag:s11] =	ssyncadd.s32 $0xFFFFFB00  }
0x2a: {  	[tilespmem:s13], [sflag:$0x1] =	stream.linear.gather [hbm4b:s16+s3], $0x50, $0x38;
	[tilespmem:$0x5000] =	vst v63  }
0x2b: {  	_ =	swait.ge [sflag:s11], $0x50  }
0x2c: {  	[sflag:s11] =	ssyncset.done $0x0  }
0x2d: {  	[sflag:s11] =	ssyncadd.s32 $0xFFFFFFB0  }
0x2e: {  	[spmem:s2] =	stream.indirect.scatter.add.f32 [tilespmem:s12], [sflag:$0x1], $0x10, s13, s14, $0xb8;
	[tilespmem:$0x5000] =	vst v63  }
0x2f: {  	_ =	swait.ge [sflag:s11], $0x500  }
0x30: {  	s15 =	sadd.s32 $0x1, s15;
	[sflag:s11] =	ssyncset.done $0x0  }
0x31: {  	p0 =	sne.s32 s15, s8;
	[sflag:s11] =	ssyncadd.s32 $0xFFFFFB00  }
.Ltmp1:
0x32: {  	[bflag:$0x0] =	sbarrier.arrive $0xFFFF;
	(pc) =	sbr.rel @p0 .LBB2_1-.Ltmp1, $4  }
0x33: {  	[hbm:s7], [sflag:s6] =	dma.local [spmem:s10], $0x2780  }
0x34: {  	_ =	swait.ge [sflag:s11], $0x2780  }
0x35: {  	[sflag:s11] =	ssyncset.done $0x0  }
0x36: {  	[sflag:s11] =	ssyncadd.s32 $0xFFFFD880  }
0x37: {  	_ =	sfence.sel $0x180000  }
0x38: {  	[bflag:$0x0] =	sbarrier.arrive $0xFFFF  }
0x39: {  	p0 =	sne.s32 s0, $0x0;
	_ =	strace $0x90000047  }
0x3a: {  	s0 =	sadd.s32 @!p0 $0x100000, s1;
	[bflag:$0x2] =	sbarrier.arrive $0xFFFF  }
0x3b: {  	[sflag:s0] =	ssyncadd.tile.s32 @!p0 $0x1;
	_ =	shalt  }
.Lfunc_end2:
_tile_overlayer_lowered:
.L_overlay_start_2:
0x3c: {  	(tag) =	ssettag $0x2  }
0x3d: {  	s0 =	rddreg [dreg:$0x0];
	s2 =	stileid.u32  }
0x3e: {  	s1 =	rddreg [dreg:$0x1];
	p0 =	sne.s32 s2, $0x0  }
0x3f: {  	s3 =	rddreg [dreg:$0x2];
	[bflag:$0x3] =	sbarrier.arrive $0xFFFF;
	s2 =	simm.s32 @!p0 $0x1C01  }
0x40: {  	[timem:s3], [sflag:s2] =	dma.local @!p0 [hbm:s0], s1  }
0x41: {  	s0 =	simm.s32 @!p0 $0x1  }
0x42: {  	_ =	swait.ge @!p0 [sflag:s0], s1  }
0x43: {  	s1 =	ssub.s32 @!p0 $0x0, s1;
	[sflag:s0] =	ssyncset.done @!p0 $0x0  }
0x44: {  	[sflag:s0] =	ssyncadd.s32 @!p0 s1  }
0x45: {  	[bflag:$0x3] =	sbarrier.arrive $0xFFFF  }
0x46: {  	_ =	shalt  }

</sc_bundles>
